<compile_context>
chip_gen: v7x
topology: tpu7x:2x2x1
jax: 0.10.2.dev20260603
libtpu: 0.0.44.dev20260713+nightly
codegen_flags: <defaults>
</compile_context>

<pallas_src>
import functools

import jax
import jax.numpy as jnp
from jax import lax
from jax.experimental import pallas as pl
from jax.experimental.pallas import tpu as pltpu
from jax.experimental.pallas import tpu_sc as plsc

VOCAB = 256
DIM = 64

NC = 2
NS = 16
NW = NC * NS
REP = 16

CHUNK = 32
NBUF = 8


def _table_body(embed_t_ref, w_t_ref, b_ref, t_ref):
    t = (
        lax.dot_general(
            embed_t_ref[...],
            w_t_ref[...],
            (((0,), (0,)), ((), ())),
            preferred_element_type=jnp.float32,
        )
        + b_ref[...]
    )
    t_ref[...] = jnp.broadcast_to(t[None], t_ref.shape)


def _make_table(embed, W, b):
    return pl.pallas_call(
        _table_body,
        out_shape=jax.ShapeDtypeStruct((REP, VOCAB, VOCAB), jnp.float32),
    )(embed.T, W.T, b.reshape(1, VOCAB))


def _make_gather(n_tokens):
    assert n_tokens % (NW * CHUNK) == 0
    bpw = n_tokens // NW
    nchunk = bpw // CHUNK
    assert nchunk % NBUF == 0

    mesh = plsc.VectorSubcoreMesh(core_axis_name="c", subcore_axis_name="s")

    qpg = 4
    grows = qpg * CHUNK
    ngrp = bpw // grows
    assert ngrp % 2 == 0

    @functools.partial(
        pl.kernel,
        mesh=mesh,
        out_type=jax.ShapeDtypeStruct((n_tokens, VOCAB), jnp.float32),
        scratch_types=[
            pltpu.VMEM((bpw,), jnp.int32),
            pltpu.VMEM((grows, VOCAB), jnp.float32),
            pltpu.VMEM((grows, VOCAB), jnp.float32),
            pltpu.SemaphoreType.DMA,
            pltpu.SemaphoreType.DMA,
            pltpu.SemaphoreType.DMA,
            pltpu.SemaphoreType.DMA,
        ],
    )
    def gather(table_hbm, idx_hbm, out_hbm, idx_v, b0, b1, gs0, gs1, ws0, ws1):
        wid = lax.axis_index("s") * NC + lax.axis_index("c")
        base = wid * bpw
        tpr = idx_hbm.shape[1] // bpw
        pltpu.sync_copy(
            idx_hbm.at[wid // tpr, pl.ds(lax.rem(wid, tpr) * bpw, bpw)], idx_v
        )
        tbl = table_hbm.at[lax.rem(wid, REP)]

        def gcopy(grp, q, buf, sem):
            return pltpu.make_async_copy(
                tbl.at[idx_v.at[pl.ds((grp * qpg + q) * CHUNK, CHUNK)]],
                buf.at[pl.ds(q * CHUNK, CHUNK)],
                sem,
            )

        def fire_gathers(grp, buf, sem):
            for q in range(qpg):
                gcopy(grp, q, buf, sem).start()

        def wait_gathers(grp, buf, sem):
            for q in range(qpg):
                gcopy(grp, q, buf, sem).wait()

        def wcopy(grp, buf, sem):
            return pltpu.make_async_copy(
                buf, out_hbm.at[pl.ds(base + grp * grows, grows)], sem
            )

        fire_gathers(0, b0, gs0)

        def outer(h, _):
            ga = 2 * h
            gb = 2 * h + 1

            @pl.when(h >= 1)
            def _():
                wcopy(gb - 2, b1, ws1).wait()

            fire_gathers(gb, b1, gs1)
            wait_gathers(ga, b0, gs0)
            wcopy(ga, b0, ws0).start()

            @pl.when(ga + 2 < ngrp)
            def _():
                wcopy(ga, b0, ws0).wait()
                fire_gathers(ga + 2, b0, gs0)

            wait_gathers(gb, b1, gs1)
            wcopy(gb, b1, ws1).start()
            return 0

        lax.fori_loop(0, ngrp // 2, outer, 0, unroll=False)
        wcopy(ngrp - 2, b0, ws0).wait()
        wcopy(ngrp - 1, b1, ws1).wait()

    return gather


def kernel(x, embed, W, b):
    batch, seq = x.shape
    n_tokens = batch * seq
    table = _make_table(embed, W, b)
    out = _make_gather(n_tokens)(table, x)
    return out.reshape(batch, seq, VOCAB)

# --- scband reference (transcript-rebuilt; emitter-appended) ---
"""Pipeline reference for scband-mini-gpt-26207890440319 (READ-ONLY COPY).

The authoritative reference and input builder live on the scoring server;
editing this copy changes nothing except your own understanding.
"""

import jax, jax.numpy as jnp
import numpy as np

VOCAB = 256
DIM = 64

def setup_inputs(seed: int = 0) -> dict:
    key = jax.random.key(seed)
    k1, k2, k3 = jax.random.split(key, 3)
    x = jax.random.randint(k1, (4, 8192), 0, VOCAB, dtype=jnp.int32)
    # learned parameters
    embed = jax.random.normal(k2, (VOCAB, DIM), dtype=jnp.float32) * 0.02  # nn.Embedding weight
    W = jax.random.normal(k3, (VOCAB, DIM), dtype=jnp.float32) * 0.02      # nn.Linear weight [out, in]
    b = jnp.zeros((VOCAB,), dtype=jnp.float32)                              # nn.Linear bias
    return {"x": x, "embed": embed, "W": W, "b": b}

def reference(x, embed, W, b):
    # x = self.embed(x)
    h = jnp.take(embed, x, axis=0)          # [B, S, 64]
    # x = self.fc(x)
    out = h @ W.T + b                        # [B, S, VOCAB]
    return out

if __name__ == "__main__":
    import jax
    _d = setup_inputs()
    print(jax.jit(kernel)(*tuple(_d.values())))

</pallas_src>

<mosaic_0001>
#map = affine_map<(d0, d1) -> (0, 0, 0)>
#map1 = affine_map<(d0, d1) -> (0, 0)>
module attributes {stable_mosaic.version = 14 : i64} {
  func.func @gather(%arg0: i32, %arg1: i32, %arg2: memref<16x256x256xf32, #tpu.memory_space<hbm>>, %arg3: memref<4x8192xi32, #tpu.memory_space<hbm>>, %arg4: memref<32768x256xf32, #tpu.memory_space<hbm>>, %arg5: memref<1024xi32, #tpu.memory_space<vmem>>, %arg6: memref<128x256xf32, #tpu.memory_space<vmem>>, %arg7: memref<128x256xf32, #tpu.memory_space<vmem>>, %arg8: memref<!tpu.dma_semaphore, #tpu.memory_space<semaphore_mem>>, %arg9: memref<!tpu.dma_semaphore, #tpu.memory_space<semaphore_mem>>, %arg10: memref<!tpu.dma_semaphore, #tpu.memory_space<semaphore_mem>>, %arg11: memref<!tpu.dma_semaphore, #tpu.memory_space<semaphore_mem>>) attributes {dimension_semantics = [#tpu.dimension_semantics<core_parallel>, #tpu.dimension_semantics<subcore_parallel>], iteration_bounds = array<i64: 2, 16>, scalar_prefetch = 0 : i64, scratch_operands = 7 : i64, tpu.core_type = #tpu.core_type<sc_vector_subcore>, window_params = [{transform_indices = #map}, {transform_indices = #map1}, {transform_indices = #map1}]} {
    %mul3A = arith.constant 2 : i32
    %mul3A_0 = arith.muli %arg1, %mul3A : i32
    %add3A = arith.addi %mul3A_0, %arg0 : i32
    %mul3A_1 = arith.constant 1024 : i32
    %mul3A_2 = arith.muli %add3A, %mul3A_1 : i32
    %jit3A = arith.constant 8 : i32
    %div3A = arith.divsi %add3A, %jit3A : i32
    %sign3A = arith.constant 0 : i32
    %sign3A_3 = arith.cmpi sgt, %add3A, %sign3A : i32
    %sign3A_4 = arith.extui %sign3A_3 : i1 to i32
    %sign3A_5 = arith.constant 0 : i32
    %sign3A_6 = arith.cmpi slt, %add3A, %sign3A_5 : i32
    %sign3A_7 = arith.extui %sign3A_6 : i1 to i32
    %sign3A_8 = arith.subi %sign3A_4, %sign3A_7 : i32
    %sign3A_9 = arith.constant 0 : i32
    %sign3A_10 = arith.cmpi sgt, %jit3A, %sign3A_9 : i32
    %sign3A_11 = arith.extui %sign3A_10 : i1 to i32
    %sign3A_12 = arith.constant 0 : i32
    %sign3A_13 = arith.cmpi slt, %jit3A, %sign3A_12 : i32
    %sign3A_14 = arith.extui %sign3A_13 : i1 to i32
    %sign3A_15 = arith.subi %sign3A_11, %sign3A_14 : i32
    %ne3A = arith.cmpi ne, %sign3A_8, %sign3A_15 : i32
    %rem3A = arith.remsi %add3A, %jit3A : i32
    %ne3A_16 = arith.constant 0 : i32
    %ne3A_17 = arith.cmpi ne, %rem3A, %ne3A_16 : i32
    %and3A = arith.andi %ne3A, %ne3A_17 : i1
    %sub3A = arith.constant 1 : i32
    %sub3A_18 = arith.subi %div3A, %sub3A : i32
    %select_n3A = arith.select %and3A, %sub3A_18, %div3A : i32
    %rem3A_19 = arith.constant 8 : i32
    %rem3A_20 = arith.remsi %add3A, %rem3A_19 : i32
    %mul3A_21 = arith.constant 1024 : i32
    %mul3A_22 = arith.muli %rem3A_20, %mul3A_21 : i32
    "tpu.region"() ({
      %run_scoped3A = tpu.sem_alloc : memref<!tpu.dma_semaphore, #tpu.memory_space<semaphore_mem>>
      %dma_start3A_89 = tpu.memref_slice %arg3[%select_n3A, %mul3A_22] : memref<4x8192xi32, #tpu.memory_space<hbm>> -> memref<1x1024xi32, #tpu.memory_space<hbm>>
      %dma_start3A_90 = tpu.memref_squeeze %dma_start3A_89 : memref<1x1024xi32, #tpu.memory_space<hbm>> -> memref<1024xi32, #tpu.memory_space<hbm>>
      %dma_start3A_91 = tpu.memref_slice %arg3[%select_n3A, %mul3A_22] : memref<4x8192xi32, #tpu.memory_space<hbm>> -> memref<1x1024xi32, #tpu.memory_space<hbm>>
      %dma_start3A_92 = tpu.memref_squeeze %dma_start3A_91 : memref<1x1024xi32, #tpu.memory_space<hbm>> -> memref<1024xi32, #tpu.memory_space<hbm>>
      tpu.enqueue_dma source(%dma_start3A_92 : memref<1024xi32, #tpu.memory_space<hbm>>) target(%arg5 : memref<1024xi32, #tpu.memory_space<vmem>>) target_semaphore(%run_scoped3A : memref<!tpu.dma_semaphore, #tpu.memory_space<semaphore_mem>>)
      %dma_wait3A_93 = tpu.memref_slice %arg3[%select_n3A, %mul3A_22] : memref<4x8192xi32, #tpu.memory_space<hbm>> -> memref<1x1024xi32, #tpu.memory_space<hbm>>
      %dma_wait3A_94 = tpu.memref_squeeze %dma_wait3A_93 : memref<1x1024xi32, #tpu.memory_space<hbm>> -> memref<1024xi32, #tpu.memory_space<hbm>>
      %dma_wait3A_95 = tpu.memref_slice %arg3[%select_n3A, %mul3A_22] : memref<4x8192xi32, #tpu.memory_space<hbm>> -> memref<1x1024xi32, #tpu.memory_space<hbm>>
      %dma_wait3A_96 = tpu.memref_squeeze %dma_wait3A_95 : memref<1x1024xi32, #tpu.memory_space<hbm>> -> memref<1024xi32, #tpu.memory_space<hbm>>
      tpu.wait_dma2 semaphore(%run_scoped3A : memref<!tpu.dma_semaphore, #tpu.memory_space<semaphore_mem>>) src(%dma_wait3A_96 : memref<1024xi32, #tpu.memory_space<hbm>>) dst(%arg5 : memref<1024xi32, #tpu.memory_space<vmem>>)
      tpu.yield
    }) : () -> ()
    %rem3A_23 = arith.constant 16 : i32
    %rem3A_24 = arith.remsi %add3A, %rem3A_23 : i32
    %dma_start3A = arith.constant 0 : i32
    %dma_start3A_25 = arith.constant 0 : i32
    %dma_start3A_26 = tpu.memref_slice %arg6[%dma_start3A, %dma_start3A_25] : memref<128x256xf32, #tpu.memory_space<vmem>> -> memref<32x256xf32, #tpu.memory_space<vmem>>
    %dma_start3A_27 = arith.constant 0 : i32
    %dma_start3A_28 = tpu.memref_slice %arg5[%dma_start3A_27] : memref<1024xi32, #tpu.memory_space<vmem>> -> memref<32xi32, #tpu.memory_space<vmem>>
    %dma_start3A_29 = arith.constant 0 : i32
    %dma_start3A_30 = arith.constant 0 : i32
    %dma_start3A_31 = tpu.memref_slice %arg2[%rem3A_24, %dma_start3A_29, %dma_start3A_30] : memref<16x256x256xf32, #tpu.memory_space<hbm>> -> memref<1x256x256xf32, #tpu.memory_space<hbm>>
    %dma_start3A_32 = tpu.memref_squeeze %dma_start3A_31 : memref<1x256x256xf32, #tpu.memory_space<hbm>> -> memref<256x256xf32, #tpu.memory_space<hbm>>
    %dma_start3A_33 = arith.constant 0 : i32
    %dma_start3A_34 = arith.constant 0 : i32
    %dma_start3A_35 = tpu.memref_slice %dma_start3A_32[%dma_start3A_33, %dma_start3A_34] : memref<256x256xf32, #tpu.memory_space<hbm>> -> memref<256x256xf32, #tpu.memory_space<hbm>>
    tpu.enqueue_indirect_dma source(%dma_start3A_35 : memref<256x256xf32, #tpu.memory_space<hbm>>) target(%dma_start3A_26 : memref<32x256xf32, #tpu.memory_space<vmem>>) offsets(%dma_start3A_28 : memref<32xi32, #tpu.memory_space<vmem>>) semaphore(%arg8 : memref<!tpu.dma_semaphore, #tpu.memory_space<semaphore_mem>>)
    %dma_start3A_36 = arith.constant 32 : i32
    %dma_start3A_37 = arith.constant 0 : i32
    %dma_start3A_38 = tpu.memref_slice %arg6[%dma_start3A_36, %dma_start3A_37] : memref<128x256xf32, #tpu.memory_space<vmem>> -> memref<32x256xf32, #tpu.memory_space<vmem>>
    %dma_start3A_39 = arith.constant 32 : i32
    %dma_start3A_40 = tpu.memref_slice %arg5[%dma_start3A_39] : memref<1024xi32, #tpu.memory_space<vmem>> -> memref<32xi32, #tpu.memory_space<vmem>>
    %dma_start3A_41 = arith.constant 0 : i32
    %dma_start3A_42 = arith.constant 0 : i32
    %dma_start3A_43 = tpu.memref_slice %arg2[%rem3A_24, %dma_start3A_41, %dma_start3A_42] : memref<16x256x256xf32, #tpu.memory_space<hbm>> -> memref<1x256x256xf32, #tpu.memory_space<hbm>>
    %dma_start3A_44 = tpu.memref_squeeze %dma_start3A_43 : memref<1x256x256xf32, #tpu.memory_space<hbm>> -> memref<256x256xf32, #tpu.memory_space<hbm>>
    %dma_start3A_45 = arith.constant 0 : i32
    %dma_start3A_46 = arith.constant 0 : i32
    %dma_start3A_47 = tpu.memref_slice %dma_start3A_44[%dma_start3A_45, %dma_start3A_46] : memref<256x256xf32, #tpu.memory_space<hbm>> -> memref<256x256xf32, #tpu.memory_space<hbm>>
    tpu.enqueue_indirect_dma source(%dma_start3A_47 : memref<256x256xf32, #tpu.memory_space<hbm>>) target(%dma_start3A_38 : memref<32x256xf32, #tpu.memory_space<vmem>>) offsets(%dma_start3A_40 : memref<32xi32, #tpu.memory_space<vmem>>) semaphore(%arg8 : memref<!tpu.dma_semaphore, #tpu.memory_space<semaphore_mem>>)
    %dma_start3A_48 = arith.constant 64 : i32
    %dma_start3A_49 = arith.constant 0 : i32
    %dma_start3A_50 = tpu.memref_slice %arg6[%dma_start3A_48, %dma_start3A_49] : memref<128x256xf32, #tpu.memory_space<vmem>> -> memref<32x256xf32, #tpu.memory_space<vmem>>
    %dma_start3A_51 = arith.constant 64 : i32
    %dma_start3A_52 = tpu.memref_slice %arg5[%dma_start3A_51] : memref<1024xi32, #tpu.memory_space<vmem>> -> memref<32xi32, #tpu.memory_space<vmem>>
    %dma_start3A_53 = arith.constant 0 : i32
    %dma_start3A_54 = arith.constant 0 : i32
    %dma_start3A_55 = tpu.memref_slice %arg2[%rem3A_24, %dma_start3A_53, %dma_start3A_54] : memref<16x256x256xf32, #tpu.memory_space<hbm>> -> memref<1x256x256xf32, #tpu.memory_space<hbm>>
    %dma_start3A_56 = tpu.memref_squeeze %dma_start3A_55 : memref<1x256x256xf32, #tpu.memory_space<hbm>> -> memref<256x256xf32, #tpu.memory_space<hbm>>
    %dma_start3A_57 = arith.constant 0 : i32
    %dma_start3A_58 = arith.constant 0 : i32
    %dma_start3A_59 = tpu.memref_slice %dma_start3A_56[%dma_start3A_57, %dma_start3A_58] : memref<256x256xf32, #tpu.memory_space<hbm>> -> memref<256x256xf32, #tpu.memory_space<hbm>>
    tpu.enqueue_indirect_dma source(%dma_start3A_59 : memref<256x256xf32, #tpu.memory_space<hbm>>) target(%dma_start3A_50 : memref<32x256xf32, #tpu.memory_space<vmem>>) offsets(%dma_start3A_52 : memref<32xi32, #tpu.memory_space<vmem>>) semaphore(%arg8 : memref<!tpu.dma_semaphore, #tpu.memory_space<semaphore_mem>>)
    %dma_start3A_60 = arith.constant 96 : i32
    %dma_start3A_61 = arith.constant 0 : i32
    %dma_start3A_62 = tpu.memref_slice %arg6[%dma_start3A_60, %dma_start3A_61] : memref<128x256xf32, #tpu.memory_space<vmem>> -> memref<32x256xf32, #tpu.memory_space<vmem>>
    %dma_start3A_63 = arith.constant 96 : i32
    %dma_start3A_64 = tpu.memref_slice %arg5[%dma_start3A_63] : memref<1024xi32, #tpu.memory_space<vmem>> -> memref<32xi32, #tpu.memory_space<vmem>>
    %dma_start3A_65 = arith.constant 0 : i32
    %dma_start3A_66 = arith.constant 0 : i32
    %dma_start3A_67 = tpu.memref_slice %arg2[%rem3A_24, %dma_start3A_65, %dma_start3A_66] : memref<16x256x256xf32, #tpu.memory_space<hbm>> -> memref<1x256x256xf32, #tpu.memory_space<hbm>>
    %dma_start3A_68 = tpu.memref_squeeze %dma_start3A_67 : memref<1x256x256xf32, #tpu.memory_space<hbm>> -> memref<256x256xf32, #tpu.memory_space<hbm>>
    %dma_start3A_69 = arith.constant 0 : i32
    %dma_start3A_70 = arith.constant 0 : i32
    %dma_start3A_71 = tpu.memref_slice %dma_start3A_68[%dma_start3A_69, %dma_start3A_70] : memref<256x256xf32, #tpu.memory_space<hbm>> -> memref<256x256xf32, #tpu.memory_space<hbm>>
    tpu.enqueue_indirect_dma source(%dma_start3A_71 : memref<256x256xf32, #tpu.memory_space<hbm>>) target(%dma_start3A_62 : memref<32x256xf32, #tpu.memory_space<vmem>>) offsets(%dma_start3A_64 : memref<32xi32, #tpu.memory_space<vmem>>) semaphore(%arg8 : memref<!tpu.dma_semaphore, #tpu.memory_space<semaphore_mem>>)
    %scan3A = arith.constant 0 : i32
    %scan3A_72 = arith.constant 0 : i32
    %scan3A_73 = arith.constant 4 : i32
    %scan3A_74 = arith.addi %scan3A_72, %scan3A_73 : i32
    %scan3A_75 = arith.constant 1 : i32
    %scan3A_76 = scf.for %scan3A_89 = %scan3A_72 to %scan3A_74 step %scan3A_75 iter_args(%scan3A_90 = %scan3A) -> (i32)  : i32 {
      %mul3A_91 = arith.constant 2 : i32
      %mul3A_92 = arith.muli %mul3A_91, %scan3A_89 : i32
      %mul3A_93 = arith.constant 2 : i32
      %mul3A_94 = arith.muli %mul3A_93, %scan3A_89 : i32
      %add3A_95 = arith.constant 1 : i32
      %add3A_96 = arith.addi %mul3A_94, %add3A_95 : i32
      %ge3A = arith.constant 1 : i32
      %ge3A_97 = arith.cmpi sge, %scan3A_89, %ge3A : i32
      %convert_element_type3A = arith.extui %ge3A_97 : i1 to i32
      %cond3A = arith.constant 0 : i32
      %cond3A_98 = arith.cmpi ne, %convert_element_type3A, %cond3A : i32
      scf.if %cond3A_98 {
        %sub3A_324 = arith.constant 2 : i32
        %sub3A_325 = arith.subi %add3A_96, %sub3A_324 : i32
        %mul3A_326 = arith.constant 128 : i32
        %mul3A_327 = arith.muli %sub3A_325, %mul3A_326 : i32
        %add3A_328 = arith.addi %mul3A_2, %mul3A_327 : i32
        %dma_wait3A_329 = arith.constant 0 : i32
        %dma_wait3A_330 = tpu.memref_slice %arg4[%add3A_328, %dma_wait3A_329] : memref<32768x256xf32, #tpu.memory_space<hbm>> -> memref<128x256xf32, #tpu.memory_space<hbm>>
        %dma_wait3A_331 = arith.constant 0 : i32
        %dma_wait3A_332 = tpu.memref_slice %arg4[%add3A_328, %dma_wait3A_331] : memref<32768x256xf32, #tpu.memory_space<hbm>> -> memref<128x256xf32, #tpu.memory_space<hbm>>
        tpu.wait_dma2 semaphore(%arg11 : memref<!tpu.dma_semaphore, #tpu.memory_space<semaphore_mem>>) src(%arg7 : memref<128x256xf32, #tpu.memory_space<vmem>>) dst(%dma_wait3A_332 : memref<128x256xf32, #tpu.memory_space<hbm>>)
      } else {
      }
      %mul3A_99 = arith.constant 4 : i32
      %mul3A_100 = arith.muli %add3A_96, %mul3A_99 : i32
      %add3A_101 = arith.constant 0 : i32
      %add3A_102 = arith.addi %mul3A_100, %add3A_101 : i32
      %mul3A_103 = arith.constant 32 : i32
      %mul3A_104 = arith.muli %add3A_102, %mul3A_103 : i32
      %dma_start3A_105 = arith.constant 0 : i32
      %dma_start3A_106 = arith.constant 0 : i32
      %dma_start3A_107 = tpu.memref_slice %arg7[%dma_start3A_105, %dma_start3A_106] : memref<128x256xf32, #tpu.memory_space<vmem>> -> memref<32x256xf32, #tpu.memory_space<vmem>>
      %dma_start3A_108 = tpu.memref_slice %arg5[%mul3A_104] : memref<1024xi32, #tpu.memory_space<vmem>> -> memref<32xi32, #tpu.memory_space<vmem>>
      %dma_start3A_109 = arith.constant 0 : i32
      %dma_start3A_110 = arith.constant 0 : i32
      %dma_start3A_111 = tpu.memref_slice %arg2[%rem3A_24, %dma_start3A_109, %dma_start3A_110] : memref<16x256x256xf32, #tpu.memory_space<hbm>> -> memref<1x256x256xf32, #tpu.memory_space<hbm>>
      %dma_start3A_112 = tpu.memref_squeeze %dma_start3A_111 : memref<1x256x256xf32, #tpu.memory_space<hbm>> -> memref<256x256xf32, #tpu.memory_space<hbm>>
      %dma_start3A_113 = arith.constant 0 : i32
      %dma_start3A_114 = arith.constant 0 : i32
      %dma_start3A_115 = tpu.memref_slice %dma_start3A_112[%dma_start3A_113, %dma_start3A_114] : memref<256x256xf32, #tpu.memory_space<hbm>> -> memref<256x256xf32, #tpu.memory_space<hbm>>
      tpu.enqueue_indirect_dma source(%dma_start3A_115 : memref<256x256xf32, #tpu.memory_space<hbm>>) target(%dma_start3A_107 : memref<32x256xf32, #tpu.memory_space<vmem>>) offsets(%dma_start3A_108 : memref<32xi32, #tpu.memory_space<vmem>>) semaphore(%arg9 : memref<!tpu.dma_semaphore, #tpu.memory_space<semaphore_mem>>)
      %mul3A_116 = arith.constant 4 : i32
      %mul3A_117 = arith.muli %add3A_96, %mul3A_116 : i32
      %add3A_118 = arith.constant 1 : i32
      %add3A_119 = arith.addi %mul3A_117, %add3A_118 : i32
      %mul3A_120 = arith.constant 32 : i32
      %mul3A_121 = arith.muli %add3A_119, %mul3A_120 : i32
      %dma_start3A_122 = arith.constant 32 : i32
      %dma_start3A_123 = arith.constant 0 : i32
      %dma_start3A_124 = tpu.memref_slice %arg7[%dma_start3A_122, %dma_start3A_123] : memref<128x256xf32, #tpu.memory_space<vmem>> -> memref<32x256xf32, #tpu.memory_space<vmem>>
      %dma_start3A_125 = tpu.memref_slice %arg5[%mul3A_121] : memref<1024xi32, #tpu.memory_space<vmem>> -> memref<32xi32, #tpu.memory_space<vmem>>
      %dma_start3A_126 = arith.constant 0 : i32
      %dma_start3A_127 = arith.constant 0 : i32
      %dma_start3A_128 = tpu.memref_slice %arg2[%rem3A_24, %dma_start3A_126, %dma_start3A_127] : memref<16x256x256xf32, #tpu.memory_space<hbm>> -> memref<1x256x256xf32, #tpu.memory_space<hbm>>
      %dma_start3A_129 = tpu.memref_squeeze %dma_start3A_128 : memref<1x256x256xf32, #tpu.memory_space<hbm>> -> memref<256x256xf32, #tpu.memory_space<hbm>>
      %dma_start3A_130 = arith.constant 0 : i32
      %dma_start3A_131 = arith.constant 0 : i32
      %dma_start3A_132 = tpu.memref_slice %dma_start3A_129[%dma_start3A_130, %dma_start3A_131] : memref<256x256xf32, #tpu.memory_space<hbm>> -> memref<256x256xf32, #tpu.memory_space<hbm>>
      tpu.enqueue_indirect_dma source(%dma_start3A_132 : memref<256x256xf32, #tpu.memory_space<hbm>>) target(%dma_start3A_124 : memref<32x256xf32, #tpu.memory_space<vmem>>) offsets(%dma_start3A_125 : memref<32xi32, #tpu.memory_space<vmem>>) semaphore(%arg9 : memref<!tpu.dma_semaphore, #tpu.memory_space<semaphore_mem>>)
      %mul3A_133 = arith.constant 4 : i32
      %mul3A_134 = arith.muli %add3A_96, %mul3A_133 : i32
      %add3A_135 = arith.constant 2 : i32
      %add3A_136 = arith.addi %mul3A_134, %add3A_135 : i32
      %mul3A_137 = arith.constant 32 : i32
      %mul3A_138 = arith.muli %add3A_136, %mul3A_137 : i32
      %dma_start3A_139 = arith.constant 64 : i32
      %dma_start3A_140 = arith.constant 0 : i32
      %dma_start3A_141 = tpu.memref_slice %arg7[%dma_start3A_139, %dma_start3A_140] : memref<128x256xf32, #tpu.memory_space<vmem>> -> memref<32x256xf32, #tpu.memory_space<vmem>>
      %dma_start3A_142 = tpu.memref_slice %arg5[%mul3A_138] : memref<1024xi32, #tpu.memory_space<vmem>> -> memref<32xi32, #tpu.memory_space<vmem>>
      %dma_start3A_143 = arith.constant 0 : i32
      %dma_start3A_144 = arith.constant 0 : i32
      %dma_start3A_145 = tpu.memref_slice %arg2[%rem3A_24, %dma_start3A_143, %dma_start3A_144] : memref<16x256x256xf32, #tpu.memory_space<hbm>> -> memref<1x256x256xf32, #tpu.memory_space<hbm>>
      %dma_start3A_146 = tpu.memref_squeeze %dma_start3A_145 : memref<1x256x256xf32, #tpu.memory_space<hbm>> -> memref<256x256xf32, #tpu.memory_space<hbm>>
      %dma_start3A_147 = arith.constant 0 : i32
      %dma_start3A_148 = arith.constant 0 : i32
      %dma_start3A_149 = tpu.memref_slice %dma_start3A_146[%dma_start3A_147, %dma_start3A_148] : memref<256x256xf32, #tpu.memory_space<hbm>> -> memref<256x256xf32, #tpu.memory_space<hbm>>
      tpu.enqueue_indirect_dma source(%dma_start3A_149 : memref<256x256xf32, #tpu.memory_space<hbm>>) target(%dma_start3A_141 : memref<32x256xf32, #tpu.memory_space<vmem>>) offsets(%dma_start3A_142 : memref<32xi32, #tpu.memory_space<vmem>>) semaphore(%arg9 : memref<!tpu.dma_semaphore, #tpu.memory_space<semaphore_mem>>)
      %mul3A_150 = arith.constant 4 : i32
      %mul3A_151 = arith.muli %add3A_96, %mul3A_150 : i32
      %add3A_152 = arith.constant 3 : i32
      %add3A_153 = arith.addi %mul3A_151, %add3A_152 : i32
      %mul3A_154 = arith.constant 32 : i32
      %mul3A_155 = arith.muli %add3A_153, %mul3A_154 : i32
      %dma_start3A_156 = arith.constant 96 : i32
      %dma_start3A_157 = arith.constant 0 : i32
      %dma_start3A_158 = tpu.memref_slice %arg7[%dma_start3A_156, %dma_start3A_157] : memref<128x256xf32, #tpu.memory_space<vmem>> -> memref<32x256xf32, #tpu.memory_space<vmem>>
      %dma_start3A_159 = tpu.memref_slice %arg5[%mul3A_155] : memref<1024xi32, #tpu.memory_space<vmem>> -> memref<32xi32, #tpu.memory_space<vmem>>
      %dma_start3A_160 = arith.constant 0 : i32
      %dma_start3A_161 = arith.constant 0 : i32
      %dma_start3A_162 = tpu.memref_slice %arg2[%rem3A_24, %dma_start3A_160, %dma_start3A_161] : memref<16x256x256xf32, #tpu.memory_space<hbm>> -> memref<1x256x256xf32, #tpu.memory_space<hbm>>
      %dma_start3A_163 = tpu.memref_squeeze %dma_start3A_162 : memref<1x256x256xf32, #tpu.memory_space<hbm>> -> memref<256x256xf32, #tpu.memory_space<hbm>>
      %dma_start3A_164 = arith.constant 0 : i32
      %dma_start3A_165 = arith.constant 0 : i32
      %dma_start3A_166 = tpu.memref_slice %dma_start3A_163[%dma_start3A_164, %dma_start3A_165] : memref<256x256xf32, #tpu.memory_space<hbm>> -> memref<256x256xf32, #tpu.memory_space<hbm>>
      tpu.enqueue_indirect_dma source(%dma_start3A_166 : memref<256x256xf32, #tpu.memory_space<hbm>>) target(%dma_start3A_158 : memref<32x256xf32, #tpu.memory_space<vmem>>) offsets(%dma_start3A_159 : memref<32xi32, #tpu.memory_space<vmem>>) semaphore(%arg9 : memref<!tpu.dma_semaphore, #tpu.memory_space<semaphore_mem>>)
      %mul3A_167 = arith.constant 4 : i32
      %mul3A_168 = arith.muli %mul3A_92, %mul3A_167 : i32
      %add3A_169 = arith.constant 0 : i32
      %add3A_170 = arith.addi %mul3A_168, %add3A_169 : i32
      %mul3A_171 = arith.constant 32 : i32
      %mul3A_172 = arith.muli %add3A_170, %mul3A_171 : i32
      %dma_wait3A_173 = arith.constant 0 : i32
      %dma_wait3A_174 = arith.constant 0 : i32
      %dma_wait3A_175 = tpu.memref_slice %arg6[%dma_wait3A_173, %dma_wait3A_174] : memref<128x256xf32, #tpu.memory_space<vmem>> -> memref<32x256xf32, #tpu.memory_space<vmem>>
      %dma_wait3A_176 = tpu.memref_slice %arg5[%mul3A_172] : memref<1024xi32, #tpu.memory_space<vmem>> -> memref<32xi32, #tpu.memory_space<vmem>>
      %dma_wait3A_177 = arith.constant 0 : i32
      %dma_wait3A_178 = arith.constant 0 : i32
      %dma_wait3A_179 = tpu.memref_slice %arg2[%rem3A_24, %dma_wait3A_177, %dma_wait3A_178] : memref<16x256x256xf32, #tpu.memory_space<hbm>> -> memref<1x256x256xf32, #tpu.memory_space<hbm>>
      %dma_wait3A_180 = tpu.memref_squeeze %dma_wait3A_179 : memref<1x256x256xf32, #tpu.memory_space<hbm>> -> memref<256x256xf32, #tpu.memory_space<hbm>>
      %dma_wait3A_181 = arith.constant 0 : i32
      %dma_wait3A_182 = arith.constant 0 : i32
      %dma_wait3A_183 = tpu.memref_slice %dma_wait3A_180[%dma_wait3A_181, %dma_wait3A_182] : memref<256x256xf32, #tpu.memory_space<hbm>> -> memref<256x256xf32, #tpu.memory_space<hbm>>
      tpu.wait_indirect_dma semaphore(%arg8 : memref<!tpu.dma_semaphore, #tpu.memory_space<semaphore_mem>>) src(%dma_wait3A_183 : memref<256x256xf32, #tpu.memory_space<hbm>>) dst(%dma_wait3A_175 : memref<32x256xf32, #tpu.memory_space<vmem>>)
      %mul3A_184 = arith.constant 4 : i32
      %mul3A_185 = arith.muli %mul3A_92, %mul3A_184 : i32
      %add3A_186 = arith.constant 1 : i32
      %add3A_187 = arith.addi %mul3A_185, %add3A_186 : i32
      %mul3A_188 = arith.constant 32 : i32
      %mul3A_189 = arith.muli %add3A_187, %mul3A_188 : i32
      %dma_wait3A_190 = arith.constant 32 : i32
      %dma_wait3A_191 = arith.constant 0 : i32
      %dma_wait3A_192 = tpu.memref_slice %arg6[%dma_wait3A_190, %dma_wait3A_191] : memref<128x256xf32, #tpu.memory_space<vmem>> -> memref<32x256xf32, #tpu.memory_space<vmem>>
      %dma_wait3A_193 = tpu.memref_slice %arg5[%mul3A_189] : memref<1024xi32, #tpu.memory_space<vmem>> -> memref<32xi32, #tpu.memory_space<vmem>>
      %dma_wait3A_194 = arith.constant 0 : i32
      %dma_wait3A_195 = arith.constant 0 : i32
      %dma_wait3A_196 = tpu.memref_slice %arg2[%rem3A_24, %dma_wait3A_194, %dma_wait3A_195] : memref<16x256x256xf32, #tpu.memory_space<hbm>> -> memref<1x256x256xf32, #tpu.memory_space<hbm>>
      %dma_wait3A_197 = tpu.memref_squeeze %dma_wait3A_196 : memref<1x256x256xf32, #tpu.memory_space<hbm>> -> memref<256x256xf32, #tpu.memory_space<hbm>>
      %dma_wait3A_198 = arith.constant 0 : i32
      %dma_wait3A_199 = arith.constant 0 : i32
      %dma_wait3A_200 = tpu.memref_slice %dma_wait3A_197[%dma_wait3A_198, %dma_wait3A_199] : memref<256x256xf32, #tpu.memory_space<hbm>> -> memref<256x256xf32, #tpu.memory_space<hbm>>
      tpu.wait_indirect_dma semaphore(%arg8 : memref<!tpu.dma_semaphore, #tpu.memory_space<semaphore_mem>>) src(%dma_wait3A_200 : memref<256x256xf32, #tpu.memory_space<hbm>>) dst(%dma_wait3A_192 : memref<32x256xf32, #tpu.memory_space<vmem>>)
      %mul3A_201 = arith.constant 4 : i32
      %mul3A_202 = arith.muli %mul3A_92, %mul3A_201 : i32
      %add3A_203 = arith.constant 2 : i32
      %add3A_204 = arith.addi %mul3A_202, %add3A_203 : i32
      %mul3A_205 = arith.constant 32 : i32
      %mul3A_206 = arith.muli %add3A_204, %mul3A_205 : i32
      %dma_wait3A_207 = arith.constant 64 : i32
      %dma_wait3A_208 = arith.constant 0 : i32
      %dma_wait3A_209 = tpu.memref_slice %arg6[%dma_wait3A_207, %dma_wait3A_208] : memref<128x256xf32, #tpu.memory_space<vmem>> -> memref<32x256xf32, #tpu.memory_space<vmem>>
      %dma_wait3A_210 = tpu.memref_slice %arg5[%mul3A_206] : memref<1024xi32, #tpu.memory_space<vmem>> -> memref<32xi32, #tpu.memory_space<vmem>>
      %dma_wait3A_211 = arith.constant 0 : i32
      %dma_wait3A_212 = arith.constant 0 : i32
      %dma_wait3A_213 = tpu.memref_slice %arg2[%rem3A_24, %dma_wait3A_211, %dma_wait3A_212] : memref<16x256x256xf32, #tpu.memory_space<hbm>> -> memref<1x256x256xf32, #tpu.memory_space<hbm>>
      %dma_wait3A_214 = tpu.memref_squeeze %dma_wait3A_213 : memref<1x256x256xf32, #tpu.memory_space<hbm>> -> memref<256x256xf32, #tpu.memory_space<hbm>>
      %dma_wait3A_215 = arith.constant 0 : i32
      %dma_wait3A_216 = arith.constant 0 : i32
      %dma_wait3A_217 = tpu.memref_slice %dma_wait3A_214[%dma_wait3A_215, %dma_wait3A_216] : memref<256x256xf32, #tpu.memory_space<hbm>> -> memref<256x256xf32, #tpu.memory_space<hbm>>
      tpu.wait_indirect_dma semaphore(%arg8 : memref<!tpu.dma_semaphore, #tpu.memory_space<semaphore_mem>>) src(%dma_wait3A_217 : memref<256x256xf32, #tpu.memory_space<hbm>>) dst(%dma_wait3A_209 : memref<32x256xf32, #tpu.memory_space<vmem>>)
      %mul3A_218 = arith.constant 4 : i32
      %mul3A_219 = arith.muli %mul3A_92, %mul3A_218 : i32
      %add3A_220 = arith.constant 3 : i32
      %add3A_221 = arith.addi %mul3A_219, %add3A_220 : i32
      %mul3A_222 = arith.constant 32 : i32
      %mul3A_223 = arith.muli %add3A_221, %mul3A_222 : i32
      %dma_wait3A_224 = arith.constant 96 : i32
      %dma_wait3A_225 = arith.constant 0 : i32
      %dma_wait3A_226 = tpu.memref_slice %arg6[%dma_wait3A_224, %dma_wait3A_225] : memref<128x256xf32, #tpu.memory_space<vmem>> -> memref<32x256xf32, #tpu.memory_space<vmem>>
      %dma_wait3A_227 = tpu.memref_slice %arg5[%mul3A_223] : memref<1024xi32, #tpu.memory_space<vmem>> -> memref<32xi32, #tpu.memory_space<vmem>>
      %dma_wait3A_228 = arith.constant 0 : i32
      %dma_wait3A_229 = arith.constant 0 : i32
      %dma_wait3A_230 = tpu.memref_slice %arg2[%rem3A_24, %dma_wait3A_228, %dma_wait3A_229] : memref<16x256x256xf32, #tpu.memory_space<hbm>> -> memref<1x256x256xf32, #tpu.memory_space<hbm>>
      %dma_wait3A_231 = tpu.memref_squeeze %dma_wait3A_230 : memref<1x256x256xf32, #tpu.memory_space<hbm>> -> memref<256x256xf32, #tpu.memory_space<hbm>>
      %dma_wait3A_232 = arith.constant 0 : i32
      %dma_wait3A_233 = arith.constant 0 : i32
      %dma_wait3A_234 = tpu.memref_slice %dma_wait3A_231[%dma_wait3A_232, %dma_wait3A_233] : memref<256x256xf32, #tpu.memory_space<hbm>> -> memref<256x256xf32, #tpu.memory_space<hbm>>
      tpu.wait_indirect_dma semaphore(%arg8 : memref<!tpu.dma_semaphore, #tpu.memory_space<semaphore_mem>>) src(%dma_wait3A_234 : memref<256x256xf32, #tpu.memory_space<hbm>>) dst(%dma_wait3A_226 : memref<32x256xf32, #tpu.memory_space<vmem>>)
      %mul3A_235 = arith.constant 128 : i32
      %mul3A_236 = arith.muli %mul3A_92, %mul3A_235 : i32
      %add3A_237 = arith.addi %mul3A_2, %mul3A_236 : i32
      %dma_start3A_238 = arith.constant 0 : i32
      %dma_start3A_239 = tpu.memref_slice %arg4[%add3A_237, %dma_start3A_238] : memref<32768x256xf32, #tpu.memory_space<hbm>> -> memref<128x256xf32, #tpu.memory_space<hbm>>
      %dma_start3A_240 = arith.constant 0 : i32
      %dma_start3A_241 = tpu.memref_slice %arg4[%add3A_237, %dma_start3A_240] : memref<32768x256xf32, #tpu.memory_space<hbm>> -> memref<128x256xf32, #tpu.memory_space<hbm>>
      tpu.enqueue_dma source(%arg6 : memref<128x256xf32, #tpu.memory_space<vmem>>) target(%dma_start3A_241 : memref<128x256xf32, #tpu.memory_space<hbm>>) target_semaphore(%arg10 : memref<!tpu.dma_semaphore, #tpu.memory_space<semaphore_mem>>)
      %add3A_242 = arith.constant 2 : i32
      %add3A_243 = arith.addi %mul3A_92, %add3A_242 : i32
      %lt3A = arith.constant 8 : i32
      %lt3A_244 = arith.cmpi slt, %add3A_243, %lt3A : i32
      %convert_element_type3A_245 = arith.extui %lt3A_244 : i1 to i32
      %cond3A_246 = arith.constant 0 : i32
      %cond3A_247 = arith.cmpi ne, %convert_element_type3A_245, %cond3A_246 : i32
      scf.if %cond3A_247 {
        %mul3A_324 = arith.constant 128 : i32
        %mul3A_325 = arith.muli %mul3A_92, %mul3A_324 : i32
        %add3A_326 = arith.addi %mul3A_2, %mul3A_325 : i32
        %dma_wait3A_327 = arith.constant 0 : i32
        %dma_wait3A_328 = tpu.memref_slice %arg4[%add3A_326, %dma_wait3A_327] : memref<32768x256xf32, #tpu.memory_space<hbm>> -> memref<128x256xf32, #tpu.memory_space<hbm>>
        %dma_wait3A_329 = arith.constant 0 : i32
        %dma_wait3A_330 = tpu.memref_slice %arg4[%add3A_326, %dma_wait3A_329] : memref<32768x256xf32, #tpu.memory_space<hbm>> -> memref<128x256xf32, #tpu.memory_space<hbm>>
        tpu.wait_dma2 semaphore(%arg10 : memref<!tpu.dma_semaphore, #tpu.memory_space<semaphore_mem>>) src(%arg6 : memref<128x256xf32, #tpu.memory_space<vmem>>) dst(%dma_wait3A_330 : memref<128x256xf32, #tpu.memory_space<hbm>>)
        %add3A_331 = arith.constant 2 : i32
        %add3A_332 = arith.addi %mul3A_92, %add3A_331 : i32
        %mul3A_333 = arith.constant 4 : i32
        %mul3A_334 = arith.muli %add3A_332, %mul3A_333 : i32
        %add3A_335 = arith.constant 0 : i32
        %add3A_336 = arith.addi %mul3A_334, %add3A_335 : i32
        %mul3A_337 = arith.constant 32 : i32
        %mul3A_338 = arith.muli %add3A_336, %mul3A_337 : i32
        %dma_start3A_339 = arith.constant 0 : i32
        %dma_start3A_340 = arith.constant 0 : i32
        %dma_start3A_341 = tpu.memref_slice %arg6[%dma_start3A_339, %dma_start3A_340] : memref<128x256xf32, #tpu.memory_space<vmem>> -> memref<32x256xf32, #tpu.memory_space<vmem>>
        %dma_start3A_342 = tpu.memref_slice %arg5[%mul3A_338] : memref<1024xi32, #tpu.memory_space<vmem>> -> memref<32xi32, #tpu.memory_space<vmem>>
        %dma_start3A_343 = arith.constant 0 : i32
        %dma_start3A_344 = arith.constant 0 : i32
        %dma_start3A_345 = tpu.memref_slice %arg2[%rem3A_24, %dma_start3A_343, %dma_start3A_344] : memref<16x256x256xf32, #tpu.memory_space<hbm>> -> memref<1x256x256xf32, #tpu.memory_space<hbm>>
        %dma_start3A_346 = tpu.memref_squeeze %dma_start3A_345 : memref<1x256x256xf32, #tpu.memory_space<hbm>> -> memref<256x256xf32, #tpu.memory_space<hbm>>
        %dma_start3A_347 = arith.constant 0 : i32
        %dma_start3A_348 = arith.constant 0 : i32
        %dma_start3A_349 = tpu.memref_slice %dma_start3A_346[%dma_start3A_347, %dma_start3A_348] : memref<256x256xf32, #tpu.memory_space<hbm>> -> memref<256x256xf32, #tpu.memory_space<hbm>>
        tpu.enqueue_indirect_dma source(%dma_start3A_349 : memref<256x256xf32, #tpu.memory_space<hbm>>) target(%dma_start3A_341 : memref<32x256xf32, #tpu.memory_space<vmem>>) offsets(%dma_start3A_342 : memref<32xi32, #tpu.memory_space<vmem>>) semaphore(%arg8 : memref<!tpu.dma_semaphore, #tpu.memory_space<semaphore_mem>>)
        %mul3A_350 = arith.constant 4 : i32
        %mul3A_351 = arith.muli %add3A_332, %mul3A_350 : i32
        %add3A_352 = arith.constant 1 : i32
        %add3A_353 = arith.addi %mul3A_351, %add3A_352 : i32
        %mul3A_354 = arith.constant 32 : i32
        %mul3A_355 = arith.muli %add3A_353, %mul3A_354 : i32
        %dma_start3A_356 = arith.constant 32 : i32
        %dma_start3A_357 = arith.constant 0 : i32
        %dma_start3A_358 = tpu.memref_slice %arg6[%dma_start3A_356, %dma_start3A_357] : memref<128x256xf32, #tpu.memory_space<vmem>> -> memref<32x256xf32, #tpu.memory_space<vmem>>
        %dma_start3A_359 = tpu.memref_slice %arg5[%mul3A_355] : memref<1024xi32, #tpu.memory_space<vmem>> -> memref<32xi32, #tpu.memory_space<vmem>>
        %dma_start3A_360 = arith.constant 0 : i32
        %dma_start3A_361 = arith.constant 0 : i32
        %dma_start3A_362 = tpu.memref_slice %arg2[%rem3A_24, %dma_start3A_360, %dma_start3A_361] : memref<16x256x256xf32, #tpu.memory_space<hbm>> -> memref<1x256x256xf32, #tpu.memory_space<hbm>>
        %dma_start3A_363 = tpu.memref_squeeze %dma_start3A_362 : memref<1x256x256xf32, #tpu.memory_space<hbm>> -> memref<256x256xf32, #tpu.memory_space<hbm>>
        %dma_start3A_364 = arith.constant 0 : i32
        %dma_start3A_365 = arith.constant 0 : i32
        %dma_start3A_366 = tpu.memref_slice %dma_start3A_363[%dma_start3A_364, %dma_start3A_365] : memref<256x256xf32, #tpu.memory_space<hbm>> -> memref<256x256xf32, #tpu.memory_space<hbm>>
        tpu.enqueue_indirect_dma source(%dma_start3A_366 : memref<256x256xf32, #tpu.memory_space<hbm>>) target(%dma_start3A_358 : memref<32x256xf32, #tpu.memory_space<vmem>>) offsets(%dma_start3A_359 : memref<32xi32, #tpu.memory_space<vmem>>) semaphore(%arg8 : memref<!tpu.dma_semaphore, #tpu.memory_space<semaphore_mem>>)
        %mul3A_367 = arith.constant 4 : i32
        %mul3A_368 = arith.muli %add3A_332, %mul3A_367 : i32
        %add3A_369 = arith.constant 2 : i32
        %add3A_370 = arith.addi %mul3A_368, %add3A_369 : i32
        %mul3A_371 = arith.constant 32 : i32
        %mul3A_372 = arith.muli %add3A_370, %mul3A_371 : i32
        %dma_start3A_373 = arith.constant 64 : i32
        %dma_start3A_374 = arith.constant 0 : i32
        %dma_start3A_375 = tpu.memref_slice %arg6[%dma_start3A_373, %dma_start3A_374] : memref<128x256xf32, #tpu.memory_space<vmem>> -> memref<32x256xf32, #tpu.memory_space<vmem>>
        %dma_start3A_376 = tpu.memref_slice %arg5[%mul3A_372] : memref<1024xi32, #tpu.memory_space<vmem>> -> memref<32xi32, #tpu.memory_space<vmem>>
        %dma_start3A_377 = arith.constant 0 : i32
        %dma_start3A_378 = arith.constant 0 : i32
        %dma_start3A_379 = tpu.memref_slice %arg2[%rem3A_24, %dma_start3A_377, %dma_start3A_378] : memref<16x256x256xf32, #tpu.memory_space<hbm>> -> memref<1x256x256xf32, #tpu.memory_space<hbm>>
        %dma_start3A_380 = tpu.memref_squeeze %dma_start3A_379 : memref<1x256x256xf32, #tpu.memory_space<hbm>> -> memref<256x256xf32, #tpu.memory_space<hbm>>
        %dma_start3A_381 = arith.constant 0 : i32
        %dma_start3A_382 = arith.constant 0 : i32
        %dma_start3A_383 = tpu.memref_slice %dma_start3A_380[%dma_start3A_381, %dma_start3A_382] : memref<256x256xf32, #tpu.memory_space<hbm>> -> memref<256x256xf32, #tpu.memory_space<hbm>>
        tpu.enqueue_indirect_dma source(%dma_start3A_383 : memref<256x256xf32, #tpu.memory_space<hbm>>) target(%dma_start3A_375 : memref<32x256xf32, #tpu.memory_space<vmem>>) offsets(%dma_start3A_376 : memref<32xi32, #tpu.memory_space<vmem>>) semaphore(%arg8 : memref<!tpu.dma_semaphore, #tpu.memory_space<semaphore_mem>>)
        %mul3A_384 = arith.constant 4 : i32
        %mul3A_385 = arith.muli %add3A_332, %mul3A_384 : i32
        %add3A_386 = arith.constant 3 : i32
        %add3A_387 = arith.addi %mul3A_385, %add3A_386 : i32
        %mul3A_388 = arith.constant 32 : i32
        %mul3A_389 = arith.muli %add3A_387, %mul3A_388 : i32
        %dma_start3A_390 = arith.constant 96 : i32
        %dma_start3A_391 = arith.constant 0 : i32
        %dma_start3A_392 = tpu.memref_slice %arg6[%dma_start3A_390, %dma_start3A_391] : memref<128x256xf32, #tpu.memory_space<vmem>> -> memref<32x256xf32, #tpu.memory_space<vmem>>
        %dma_start3A_393 = tpu.memref_slice %arg5[%mul3A_389] : memref<1024xi32, #tpu.memory_space<vmem>> -> memref<32xi32, #tpu.memory_space<vmem>>
        %dma_start3A_394 = arith.constant 0 : i32
        %dma_start3A_395 = arith.constant 0 : i32
        %dma_start3A_396 = tpu.memref_slice %arg2[%rem3A_24, %dma_start3A_394, %dma_start3A_395] : memref<16x256x256xf32, #tpu.memory_space<hbm>> -> memref<1x256x256xf32, #tpu.memory_space<hbm>>
        %dma_start3A_397 = tpu.memref_squeeze %dma_start3A_396 : memref<1x256x256xf32, #tpu.memory_space<hbm>> -> memref<256x256xf32, #tpu.memory_space<hbm>>
        %dma_start3A_398 = arith.constant 0 : i32
        %dma_start3A_399 = arith.constant 0 : i32
        %dma_start3A_400 = tpu.memref_slice %dma_start3A_397[%dma_start3A_398, %dma_start3A_399] : memref<256x256xf32, #tpu.memory_space<hbm>> -> memref<256x256xf32, #tpu.memory_space<hbm>>
        tpu.enqueue_indirect_dma source(%dma_start3A_400 : memref<256x256xf32, #tpu.memory_space<hbm>>) target(%dma_start3A_392 : memref<32x256xf32, #tpu.memory_space<vmem>>) offsets(%dma_start3A_393 : memref<32xi32, #tpu.memory_space<vmem>>) semaphore(%arg8 : memref<!tpu.dma_semaphore, #tpu.memory_space<semaphore_mem>>)
      } else {
      }
      %mul3A_248 = arith.constant 4 : i32
      %mul3A_249 = arith.muli %add3A_96, %mul3A_248 : i32
      %add3A_250 = arith.constant 0 : i32
      %add3A_251 = arith.addi %mul3A_249, %add3A_250 : i32
      %mul3A_252 = arith.constant 32 : i32
      %mul3A_253 = arith.muli %add3A_251, %mul3A_252 : i32
      %dma_wait3A_254 = arith.constant 0 : i32
      %dma_wait3A_255 = arith.constant 0 : i32
      %dma_wait3A_256 = tpu.memref_slice %arg7[%dma_wait3A_254, %dma_wait3A_255] : memref<128x256xf32, #tpu.memory_space<vmem>> -> memref<32x256xf32, #tpu.memory_space<vmem>>
      %dma_wait3A_257 = tpu.memref_slice %arg5[%mul3A_253] : memref<1024xi32, #tpu.memory_space<vmem>> -> memref<32xi32, #tpu.memory_space<vmem>>
      %dma_wait3A_258 = arith.constant 0 : i32
      %dma_wait3A_259 = arith.constant 0 : i32
      %dma_wait3A_260 = tpu.memref_slice %arg2[%rem3A_24, %dma_wait3A_258, %dma_wait3A_259] : memref<16x256x256xf32, #tpu.memory_space<hbm>> -> memref<1x256x256xf32, #tpu.memory_space<hbm>>
      %dma_wait3A_261 = tpu.memref_squeeze %dma_wait3A_260 : memref<1x256x256xf32, #tpu.memory_space<hbm>> -> memref<256x256xf32, #tpu.memory_space<hbm>>
      %dma_wait3A_262 = arith.constant 0 : i32
      %dma_wait3A_263 = arith.constant 0 : i32
      %dma_wait3A_264 = tpu.memref_slice %dma_wait3A_261[%dma_wait3A_262, %dma_wait3A_263] : memref<256x256xf32, #tpu.memory_space<hbm>> -> memref<256x256xf32, #tpu.memory_space<hbm>>
      tpu.wait_indirect_dma semaphore(%arg9 : memref<!tpu.dma_semaphore, #tpu.memory_space<semaphore_mem>>) src(%dma_wait3A_264 : memref<256x256xf32, #tpu.memory_space<hbm>>) dst(%dma_wait3A_256 : memref<32x256xf32, #tpu.memory_space<vmem>>)
      %mul3A_265 = arith.constant 4 : i32
      %mul3A_266 = arith.muli %add3A_96, %mul3A_265 : i32
      %add3A_267 = arith.constant 1 : i32
      %add3A_268 = arith.addi %mul3A_266, %add3A_267 : i32
      %mul3A_269 = arith.constant 32 : i32
      %mul3A_270 = arith.muli %add3A_268, %mul3A_269 : i32
      %dma_wait3A_271 = arith.constant 32 : i32
      %dma_wait3A_272 = arith.constant 0 : i32
      %dma_wait3A_273 = tpu.memref_slice %arg7[%dma_wait3A_271, %dma_wait3A_272] : memref<128x256xf32, #tpu.memory_space<vmem>> -> memref<32x256xf32, #tpu.memory_space<vmem>>
      %dma_wait3A_274 = tpu.memref_slice %arg5[%mul3A_270] : memref<1024xi32, #tpu.memory_space<vmem>> -> memref<32xi32, #tpu.memory_space<vmem>>
      %dma_wait3A_275 = arith.constant 0 : i32
      %dma_wait3A_276 = arith.constant 0 : i32
      %dma_wait3A_277 = tpu.memref_slice %arg2[%rem3A_24, %dma_wait3A_275, %dma_wait3A_276] : memref<16x256x256xf32, #tpu.memory_space<hbm>> -> memref<1x256x256xf32, #tpu.memory_space<hbm>>
      %dma_wait3A_278 = tpu.memref_squeeze %dma_wait3A_277 : memref<1x256x256xf32, #tpu.memory_space<hbm>> -> memref<256x256xf32, #tpu.memory_space<hbm>>
      %dma_wait3A_279 = arith.constant 0 : i32
      %dma_wait3A_280 = arith.constant 0 : i32
      %dma_wait3A_281 = tpu.memref_slice %dma_wait3A_278[%dma_wait3A_279, %dma_wait3A_280] : memref<256x256xf32, #tpu.memory_space<hbm>> -> memref<256x256xf32, #tpu.memory_space<hbm>>
      tpu.wait_indirect_dma semaphore(%arg9 : memref<!tpu.dma_semaphore, #tpu.memory_space<semaphore_mem>>) src(%dma_wait3A_281 : memref<256x256xf32, #tpu.memory_space<hbm>>) dst(%dma_wait3A_273 : memref<32x256xf32, #tpu.memory_space<vmem>>)
      %mul3A_282 = arith.constant 4 : i32
      %mul3A_283 = arith.muli %add3A_96, %mul3A_282 : i32
      %add3A_284 = arith.constant 2 : i32
      %add3A_285 = arith.addi %mul3A_283, %add3A_284 : i32
      %mul3A_286 = arith.constant 32 : i32
      %mul3A_287 = arith.muli %add3A_285, %mul3A_286 : i32
      %dma_wait3A_288 = arith.constant 64 : i32
      %dma_wait3A_289 = arith.constant 0 : i32
      %dma_wait3A_290 = tpu.memref_slice %arg7[%dma_wait3A_288, %dma_wait3A_289] : memref<128x256xf32, #tpu.memory_space<vmem>> -> memref<32x256xf32, #tpu.memory_space<vmem>>
      %dma_wait3A_291 = tpu.memref_slice %arg5[%mul3A_287] : memref<1024xi32, #tpu.memory_space<vmem>> -> memref<32xi32, #tpu.memory_space<vmem>>
      %dma_wait3A_292 = arith.constant 0 : i32
      %dma_wait3A_293 = arith.constant 0 : i32
      %dma_wait3A_294 = tpu.memref_slice %arg2[%rem3A_24, %dma_wait3A_292, %dma_wait3A_293] : memref<16x256x256xf32, #tpu.memory_space<hbm>> -> memref<1x256x256xf32, #tpu.memory_space<hbm>>
      %dma_wait3A_295 = tpu.memref_squeeze %dma_wait3A_294 : memref<1x256x256xf32, #tpu.memory_space<hbm>> -> memref<256x256xf32, #tpu.memory_space<hbm>>
      %dma_wait3A_296 = arith.constant 0 : i32
      %dma_wait3A_297 = arith.constant 0 : i32
      %dma_wait3A_298 = tpu.memref_slice %dma_wait3A_295[%dma_wait3A_296, %dma_wait3A_297] : memref<256x256xf32, #tpu.memory_space<hbm>> -> memref<256x256xf32, #tpu.memory_space<hbm>>
      tpu.wait_indirect_dma semaphore(%arg9 : memref<!tpu.dma_semaphore, #tpu.memory_space<semaphore_mem>>) src(%dma_wait3A_298 : memref<256x256xf32, #tpu.memory_space<hbm>>) dst(%dma_wait3A_290 : memref<32x256xf32, #tpu.memory_space<vmem>>)
      %mul3A_299 = arith.constant 4 : i32
      %mul3A_300 = arith.muli %add3A_96, %mul3A_299 : i32
      %add3A_301 = arith.constant 3 : i32
      %add3A_302 = arith.addi %mul3A_300, %add3A_301 : i32
      %mul3A_303 = arith.constant 32 : i32
      %mul3A_304 = arith.muli %add3A_302, %mul3A_303 : i32
      %dma_wait3A_305 = arith.constant 96 : i32
      %dma_wait3A_306 = arith.constant 0 : i32
      %dma_wait3A_307 = tpu.memref_slice %arg7[%dma_wait3A_305, %dma_wait3A_306] : memref<128x256xf32, #tpu.memory_space<vmem>> -> memref<32x256xf32, #tpu.memory_space<vmem>>
      %dma_wait3A_308 = tpu.memref_slice %arg5[%mul3A_304] : memref<1024xi32, #tpu.memory_space<vmem>> -> memref<32xi32, #tpu.memory_space<vmem>>
      %dma_wait3A_309 = arith.constant 0 : i32
      %dma_wait3A_310 = arith.constant 0 : i32
      %dma_wait3A_311 = tpu.memref_slice %arg2[%rem3A_24, %dma_wait3A_309, %dma_wait3A_310] : memref<16x256x256xf32, #tpu.memory_space<hbm>> -> memref<1x256x256xf32, #tpu.memory_space<hbm>>
      %dma_wait3A_312 = tpu.memref_squeeze %dma_wait3A_311 : memref<1x256x256xf32, #tpu.memory_space<hbm>> -> memref<256x256xf32, #tpu.memory_space<hbm>>
      %dma_wait3A_313 = arith.constant 0 : i32
      %dma_wait3A_314 = arith.constant 0 : i32
      %dma_wait3A_315 = tpu.memref_slice %dma_wait3A_312[%dma_wait3A_313, %dma_wait3A_314] : memref<256x256xf32, #tpu.memory_space<hbm>> -> memref<256x256xf32, #tpu.memory_space<hbm>>
      tpu.wait_indirect_dma semaphore(%arg9 : memref<!tpu.dma_semaphore, #tpu.memory_space<semaphore_mem>>) src(%dma_wait3A_315 : memref<256x256xf32, #tpu.memory_space<hbm>>) dst(%dma_wait3A_307 : memref<32x256xf32, #tpu.memory_space<vmem>>)
      %mul3A_316 = arith.constant 128 : i32
      %mul3A_317 = arith.muli %add3A_96, %mul3A_316 : i32
      %add3A_318 = arith.addi %mul3A_2, %mul3A_317 : i32
      %dma_start3A_319 = arith.constant 0 : i32
      %dma_start3A_320 = tpu.memref_slice %arg4[%add3A_318, %dma_start3A_319] : memref<32768x256xf32, #tpu.memory_space<hbm>> -> memref<128x256xf32, #tpu.memory_space<hbm>>
      %dma_start3A_321 = arith.constant 0 : i32
      %dma_start3A_322 = tpu.memref_slice %arg4[%add3A_318, %dma_start3A_321] : memref<32768x256xf32, #tpu.memory_space<hbm>> -> memref<128x256xf32, #tpu.memory_space<hbm>>
      tpu.enqueue_dma source(%arg7 : memref<128x256xf32, #tpu.memory_space<vmem>>) target(%dma_start3A_322 : memref<128x256xf32, #tpu.memory_space<hbm>>) target_semaphore(%arg11 : memref<!tpu.dma_semaphore, #tpu.memory_space<semaphore_mem>>)
      %scan3A_323 = arith.constant 0 : i32
      scf.yield %scan3A_323 : i32
    }
    %scan3A_77 = arith.constant 4 : i32
    %add3A_78 = arith.constant 768 : i32
    %add3A_79 = arith.addi %mul3A_2, %add3A_78 : i32
    %dma_wait3A = arith.constant 0 : i32
    %dma_wait3A_80 = tpu.memref_slice %arg4[%add3A_79, %dma_wait3A] : memref<32768x256xf32, #tpu.memory_space<hbm>> -> memref<128x256xf32, #tpu.memory_space<hbm>>
    %dma_wait3A_81 = arith.constant 0 : i32
    %dma_wait3A_82 = tpu.memref_slice %arg4[%add3A_79, %dma_wait3A_81] : memref<32768x256xf32, #tpu.memory_space<hbm>> -> memref<128x256xf32, #tpu.memory_space<hbm>>
    tpu.wait_dma2 semaphore(%arg10 : memref<!tpu.dma_semaphore, #tpu.memory_space<semaphore_mem>>) src(%arg6 : memref<128x256xf32, #tpu.memory_space<vmem>>) dst(%dma_wait3A_82 : memref<128x256xf32, #tpu.memory_space<hbm>>)
    %add3A_83 = arith.constant 896 : i32
    %add3A_84 = arith.addi %mul3A_2, %add3A_83 : i32
    %dma_wait3A_85 = arith.constant 0 : i32
    %dma_wait3A_86 = tpu.memref_slice %arg4[%add3A_84, %dma_wait3A_85] : memref<32768x256xf32, #tpu.memory_space<hbm>> -> memref<128x256xf32, #tpu.memory_space<hbm>>
    %dma_wait3A_87 = arith.constant 0 : i32
    %dma_wait3A_88 = tpu.memref_slice %arg4[%add3A_84, %dma_wait3A_87] : memref<32768x256xf32, #tpu.memory_space<hbm>> -> memref<128x256xf32, #tpu.memory_space<hbm>>
    tpu.wait_dma2 semaphore(%arg11 : memref<!tpu.dma_semaphore, #tpu.memory_space<semaphore_mem>>) src(%arg7 : memref<128x256xf32, #tpu.memory_space<vmem>>) dst(%dma_wait3A_88 : memref<128x256xf32, #tpu.memory_space<hbm>>)
    return
  }
}

module attributes {stable_mosaic.version = 14 : i64} {
  func.func @_table_body(%arg0: memref<64x256xf32, #tpu.memory_space<vmem>>, %arg1: memref<64x256xf32, #tpu.memory_space<vmem>>, %arg2: memref<1x256xf32, #tpu.memory_space<vmem>>, %arg3: memref<16x256x256xf32, #tpu.memory_space<vmem>>) attributes {dimension_semantics = [], scalar_prefetch = 0 : i64, scratch_operands = 0 : i64, tpu.core_type = #tpu.core_type<tc>} {
    %get3A = arith.constant 0 : index
    %get3A_0 = arith.constant 0 : index
    %get3A_1 = vector.load %arg0[%get3A, %get3A_0] : memref<64x256xf32, #tpu.memory_space<vmem>>, vector<64x256xf32>
    %get3A_2 = arith.constant 0 : index
    %get3A_3 = arith.constant 0 : index
    %get3A_4 = vector.load %arg1[%get3A_2, %get3A_3] : memref<64x256xf32, #tpu.memory_space<vmem>>, vector<64x256xf32>
    %dot_general3A = arith.constant dense<0.000000e+00> : vector<256x256xf32>
    %dot_general3A_5 = tpu.matmul %get3A_1, %get3A_4, %dot_general3A {dimension_numbers = #tpu.dot_dimension_numbers<[0], [0], [1], [1], [0, 1, 1, 1], [], []>, transpose_lhs_hint = false} : vector<64x256xf32>, vector<64x256xf32>, vector<256x256xf32> -> vector<256x256xf32>
    %get3A_6 = arith.constant 0 : index
    %get3A_7 = arith.constant 0 : index
    %get3A_8 = vector.load %arg2[%get3A_6, %get3A_7] : memref<1x256xf32, #tpu.memory_space<vmem>>, vector<1x256xf32>
    %add3A = vector.broadcast %get3A_8 : vector<1x256xf32> to vector<256x256xf32>
    %add3A_9 = arith.addf %dot_general3A_5, %add3A : vector<256x256xf32>
    %broadcast_in_dim3A = vector.shape_cast %add3A_9 : vector<256x256xf32> to vector<1x256x256xf32>
    %broadcast_in_dim3A_10 = vector.shape_cast %broadcast_in_dim3A : vector<1x256x256xf32> to vector<1x256x256xf32>
    %broadcast_in_dim3A_11 = vector.broadcast %broadcast_in_dim3A_10 : vector<1x256x256xf32> to vector<16x256x256xf32>
    %swap3A = arith.constant 0 : index
    %swap3A_12 = arith.constant 0 : index
    %swap3A_13 = arith.constant 0 : index
    %swap3A_14 = vector.load %arg3[%swap3A, %swap3A_12, %swap3A_13] : memref<16x256x256xf32, #tpu.memory_space<vmem>>, vector<16x256x256xf32>
    tpu.vector_store %arg3[%swap3A, %swap3A_12, %swap3A_13], %broadcast_in_dim3A_11 {strides = array<i32>} : memref<16x256x256xf32, #tpu.memory_space<vmem>>, vector<16x256x256xf32>,
    return
  }
}

</mosaic_0001>

<sc_bundles>
// kernel: kernel.4.cloned.1.call-start
scs
__scs_entry_jumppad:
0x0: {  	(pc) =	sbr.rel $0x88, $3  }
0x1: {  	(tag) =	ssettag $0x0;
	lr =	simm.s32 $0x1  }
0x2: {  	[smem:$0x3F9D] =	sst lr;
	_ =	strace $0xD0000000  }
0x3: {  	_ = 	snop  }
0x4: {  	_ = 	snop  }
0x5: {  	_ = 	snop  }
0x6: {  	_ = 	snop  }
0x7: {  	_ = 	snop  }
__scs_overlays_trampoline_lowered:
0x8: {  	[smem:$0x3FAC] =	sst s0  }
0x9: {  	[smem:$0x3FAD] =	sst s1  }
0xa: {  	[smem:$0x3FAE] =	sst s2  }
0xb: {  	[smem:$0x3FAF] =	sst s3  }
0xc: {  	[smem:$0x3FB0] =	sst s4  }
0xd: {  	[smem:$0x3FB1] =	sst s5  }
0xe: {  	[smem:$0x3FB2] =	sst s6  }
0xf: {  	[smem:$0x3FB3] =	sst s7  }
0x10: {  	[smem:$0x3FB4] =	sst s8  }
0x11: {  	[smem:$0x3FB5] =	sst s9;
	s0 =	simm.s32 @!p0 $0x0  }
0x12: {  	s1 =	sld [smem:$0x3F9B];
	s0 =	simm.s32 @p0 $0x1  }
0x13: {  	[smem:$0x3FB6] =	sst s0;
	s0 =	simm.s32 @!p1 $0x0  }
0x14: {  	s2 =	sld [smem:$0x3F9A];
	s0 =	simm.s32 @p1 $0x1  }
0x15: {  	[smem:$0x3FB7] =	sst s0;
	s0 =	simm.s32 @!p2 $0x0  }
0x16: {  	s3 =	sld [smem:$0x3FDB];
	s0 =	simm.s32 @p2 $0x1  }
0x17: {  	s4 =	simm.s32 $0x1BF5;
	[smem:$0x3FB9] =	sst s0  }
0x18: {  	s0 =	sld [smem:$0x3F9C];
	_ =	swait.ge [sflag:s4], $0x0  }
0x19: {  	s7 =	sld [smem:$0x3F9D]  }
0x1a: {  	s8 =	sadd.s32 $0xFFFFE003, lr  }
0x1b: {  	s9 =	sadd.s32 $0xFFFFFEF7, lr;
	s5 =	simm.s32 $0xFFFFFFFF;
	p2 =	slt.u32 s8, $0xFFFFF086  }
0x1c: {  	p1 =	slt.u32 s9, $0xF7A;
	s5 =	simm.s32 @!p2 $0x0  }
0x1d: {  	s5 =	simm.s32 @p1 $0x1;
	p0 =	seq.s32 s7, s2  }
0x1e: {  	s7 =	smul.u32 @!p0 $0xF7A, s2;
	p2 =	seq.s32 @!p0 s5, $0x0  }
0x1f: {  	s9 =	smul.u32 $0xF7A, s1;
	s8 =	simm.s32 @!p0 $0x1BF5;
	p2 =	por !p2, p0  }
0x20: {  	[sflag:s8] =	ssyncset.s32 @!p0 $0xFFFFF086;
	s6 =	sadd.s32 @!p0 s3, s7;
	s7 =	simm.s32 @!p0 $0x108  }
0x21: {  	s3 =	sadd.s32 s3, s9;
	s6 =	sadd.s32 @!p0 $0x88, s6;
	s7 =	simm.s32 @p2 $0x1082  }
0x22: {  	[simem:s7], [sflag:s8] =	dma.local @!p0 [hbm:s6], $0xF7A  }
0x23: {  	s9 =	sor.u32 $0xD0000000, s2;
	s6 =	simm.s32 $0x108;
	_ =	swait.ge @!p0 [sflag:s8], $0x0  }
0x24: {  	s3 =	sadd.s32 $0x88, s3;
	s6 =	simm.s32 @!p1 $0x1082;
	[sflag:s4] =	ssyncset.s32 $0xFFFFF086  }
0x25: {  	[simem:s6], [sflag:s4] =	dma.local [hbm:s3], $0xF7A  }
0x26: {  	[smem:$0x3F9D] =	sst s1;
	(tag) =	ssettag s2;
	_ =	strace s9  }
0x27: {  	s1 =	sld [smem:$0x3FAD]  }
0x28: {  	s2 =	sld [smem:$0x3FAE]  }
0x29: {  	s4 =	sld [smem:$0x3FB0]  }
0x2a: {  	p0 =	seq.s32 s5, $0x0;
	s5 =	sld [smem:$0x3FB1]  }
0x2b: {  	s6 =	sld [smem:$0x3FB2]  }
0x2c: {  	s7 =	sld [smem:$0x3FB3]  }
0x2d: {  	s3 =	simm.s32 $0x108;
	s8 =	sld [smem:$0x3FB4]  }
0x2e: {  	s3 =	simm.s32 @!p0 $0x1082;
	s9 =	sld [smem:$0x3FB5]  }
0x2f: {  	lr =	sadd.s32 s0, s3;
	s0 =	sld [smem:$0x3FAC]  }
0x30: {  	s3 =	sld [smem:$0x3FAF]  }
0x31: {  	[smem:$0x3FB8] =	sst s10  }
0x32: {  	s10 =	sld [smem:$0x3FB6];
	_ =	sdelay $0x3  }
0x33: {  	p0 =	seq.s32 s10, $0x1;
	s10 =	sld [smem:$0x3FB8];
	_ =	sdelay $0x3  }
0x34: {  	[smem:$0x3FB8] =	sst s10  }
0x35: {  	s10 =	sld [smem:$0x3FB7];
	_ =	sdelay $0x3  }
0x36: {  	p1 =	seq.s32 s10, $0x1;
	s10 =	sld [smem:$0x3FB8];
	_ =	sdelay $0x3  }
0x37: {  	[smem:$0x3FB8] =	sst s10  }
0x38: {  	s10 =	sld [smem:$0x3FB9]  }
0x39: {  	_ = 	snop;
	(pc) =	sbr.ind lr, $3  }
0x3a: {  	_ = 	snop  }
0x3b: {  	_ = 	snop  }
0x3c: {  	p2 =	seq.s32 s10, $0x1;
	s10 =	sld [smem:$0x3FB8]  }
0x3d: {  	_ =	shalt  }
0x3e: {  	_ =	shalt  }
0x3f: {  	_ =	shalt  }
0x40: {  	_ =	shalt  }
0x41: {  	_ =	shalt  }
0x42: {  	_ =	shalt  }
0x43: {  	_ =	shalt  }
0x44: {  	_ =	shalt  }
0x45: {  	_ =	shalt  }
0x46: {  	_ =	shalt  }
0x47: {  	_ =	shalt  }
0x48: {  	_ =	shalt  }
0x49: {  	_ =	shalt  }
0x4a: {  	_ =	shalt  }
0x4b: {  	_ =	shalt  }
0x4c: {  	_ =	shalt  }
0x4d: {  	_ =	shalt  }
0x4e: {  	_ =	shalt  }
0x4f: {  	_ =	shalt  }
0x50: {  	_ =	shalt  }
0x51: {  	_ =	shalt  }
0x52: {  	_ =	shalt  }
0x53: {  	_ =	shalt  }
0x54: {  	_ =	shalt  }
0x55: {  	_ =	shalt  }
0x56: {  	_ =	shalt  }
0x57: {  	_ =	shalt  }
0x58: {  	_ =	shalt  }
0x59: {  	_ =	shalt  }
0x5a: {  	_ =	shalt  }
0x5b: {  	_ =	shalt  }
0x5c: {  	_ =	shalt  }
0x5d: {  	_ =	shalt  }
0x5e: {  	_ =	shalt  }
0x5f: {  	_ =	shalt  }
0x60: {  	_ =	shalt  }
0x61: {  	_ =	shalt  }
0x62: {  	_ =	shalt  }
0x63: {  	_ =	shalt  }
0x64: {  	_ =	shalt  }
0x65: {  	_ =	shalt  }
0x66: {  	_ =	shalt  }
0x67: {  	_ =	shalt  }
0x68: {  	_ =	shalt  }
0x69: {  	_ =	shalt  }
0x6a: {  	_ =	shalt  }
0x6b: {  	_ =	shalt  }
0x6c: {  	_ =	shalt  }
0x6d: {  	_ =	shalt  }
0x6e: {  	_ =	shalt  }
0x6f: {  	_ =	shalt  }
0x70: {  	_ =	shalt  }
0x71: {  	_ =	shalt  }
0x72: {  	_ =	shalt  }
0x73: {  	_ =	shalt  }
0x74: {  	_ =	shalt  }
0x75: {  	_ =	shalt  }
0x76: {  	_ =	shalt  }
0x77: {  	_ =	shalt  }
0x78: {  	_ =	shalt  }
0x79: {  	_ =	shalt  }
0x7a: {  	_ =	shalt  }
0x7b: {  	_ =	shalt  }
0x7c: {  	_ =	shalt  }
0x7d: {  	_ =	shalt  }
0x7e: {  	_ =	shalt  }
0x7f: {  	_ =	shalt  }
0x80: {  	_ =	shalt  }
0x81: {  	_ =	shalt  }
0x82: {  	_ =	shalt  }
0x83: {  	_ =	shalt  }
0x84: {  	_ =	shalt  }
0x85: {  	_ =	shalt  }
0x86: {  	_ =	shalt  }
0x87: {  	_ =	shalt  }
.Lfunc_end0:
.L_simem_size_0:
called_computation_lowered:
.L_overlay_start_0:
0x88: {  	s2 =	sld [smem:$0x3FD9]  }
0x89: {  	s3 =	sld [smem:$0x3FFE];
	_ =	sdelay $0x1  }
0x8a: {  	s1 =	srdreg.scid  }
0x8b: {  	s0 =	sand.u32 $0x1, s1  }
0x8c: {  	s17 =	sshll.u32 s0, $0xA;
	s2 =	sadd.s32 s3, s2  }
0x8d: {  	s2 =	sadd.s32 s2, s17  }
0x8e: {  	[smem:$0x3FC4] =	sst s2  }
0x8f: {  	_ = 	snop  }
0x90: {  	s2 =	sld [smem:$0x3FC9]  }
0x91: {  	s18 =	sld [smem:$0x3FD0];
	(tm) =	ssettm $0x1  }
0x92: {  	s4 =	sld [smem:$0x3FFB];
	_ =	sdelay $0x3  }
0x93: {  	_ =	strace s4  }
0x94: {  	s4 =	sld [smem:$0x3FFC];
	_ =	sdelay $0x3  }
0x95: {  	_ =	strace s4  }
0x96: {  	s4 =	sld [smem:$0x3FFD];
	_ =	sdelay $0x3  }
0x97: {  	_ =	strace s4  }
0x98: {  	_ =	strace $0x8FFFFFFF  }
0x99: {  	s19 =	sld [smem:$0x3FDB];
	_ =	sdelay $0x1  }
0x9a: {  	s5 =	simm.s32 $_scs_section_size  }
0x9b: {  	s6 =	simm.s32 $_size__tile_overlayer_lowered;
	s7 =	simm.s32 $_tile_overlayer_lowered  }
0x9c: {  	s22 =	simm.s32 $0x1BFF;
	s21 =	sshll.u32 s7, $0x1;
	s4 =	sadd.s32 s5, s19  }
0x9d: {  	s8 =	simm.s32 $0x0;
	s20 =	sshll.u32 s6, $0x1;
	s6 =	sadd.s32 s21, s4  }
0x9e: {  	[timem:s8], [sflag:s22] =	dma.local [hbm:s6], s20  }
0x9f: {  	_ =	swait.ge [sflag:s22], s20  }
0xa0: {  	s5 =	ssub.s32 $0x0, s20;
	[sflag:s22] =	ssyncset.done $0x0  }
0xa1: {  	[sflag:s22] =	ssyncadd.s32 s5;
	_ =	sdelay $0x1  }
0xa2: {  	s23 =	simm.s32 $0x1B8B  }
0xa3: {  	_ =	swait.ge [sflag:s23], $0x1  }
0xa4: {  	[sflag:s23] =	ssyncset.done $0x0  }
0xa5: {  	s25 =	simm.s32 $0x1B8E;
	s24 =	sld [smem:$0x3FFE];
	[sflag:s23] =	ssyncadd.s32 $0xFFFFFFFF  }
0xa6: {  	s26 =	simm.s32 $execute0_lowered;
	[smem:$0x3FD2] =	sst s25  }
0xa7: {  	s6 =	sshll.u32 s26, $0x1;
	_ =	strace $0x80000046;
	[dreg:$0x1] =	wrdreg $0xFFFFFFFF  }
0xa8: {  	s28 =	simm.s32 $_size_execute0_lowered;
	s4 =	sadd.s32 s4, s6;
	[dreg:$0x0] =	wrdreg $0x0  }
0xa9: {  	s6 =	sshll.u32 s28, $0x1;
	[dreg:$0x2] =	wrdreg s4  }
0xaa: {  	[dreg:$0x3] =	wrdreg s6  }
0xab: {  	[dreg:$0x4] =	wrdreg $0xC0  }
0xac: {  	_ =	task [dreg:s8], $0x5FFFF  }
0xad: {  	[dreg:$0x1] =	wrdreg $0xFFFFFFFF  }
0xae: {  	[dreg:$0x0] =	wrdreg $0x60  }
0xaf: {  	[dreg:$0x2] =	wrdreg s24  }
0xb0: {  	[dreg:$0x3] =	wrdreg s2  }
0xb1: {  	[dreg:$0x4] =	wrdreg s18  }
0xb2: {  	[dreg:$0x5] =	wrdreg $0x9  }
0xb3: {  	_ =	task.clear_ibuf [dreg:s8], $0x6FFFF;
	_ =	strace $0x90000046  }
0xb4: {  	s29 =	simm.s32 $0x9;
	_ =	strace $0x80000048  }
0xb5: {  	_ =	swait.ge [sflag:s29], $0x1  }
0xb6: {  	[sflag:s29] =	ssyncadd.s32 $0xFFFFFFFF  }
0xb7: {  	_ =	strace $0x90000048  }
0xb8: {  	_ =	sfence  }
0xb9: {  	s30 =	sld [smem:$0x0];
	_ =	sdelay $0x2  }
0xba: {  	s31 =	sshll.u32 s1, $0xD;
	s1 =	sshrl.u32 s1, $0x2  }
0xbb: {  	s3 =	sand.u32 $0x4000, s31;
	s1 =	sadd.s32 s1, s30  }
0xbc: {  	s0 =	sor.u32 s3, s0;
	s1 =	sshll.u32 s1, $0x11  }
0xbd: {  	s0 =	sor.u32 s1, s0  }
0xbe: {  	s0 =	sadd.s32 $0x8F2B, s0  }
0xbf: {  	[sflag:s0] =	ssyncadd.remote.s32 $0x1  }
0xc0: {  	_ =	sfence.sel $0xFFFF  }
0xc1: {  	[dreg:$0x0] =	wrdreg $0xFFFFFFFF;
	(pc) =	sbr.abs _section_cstart, $3  }
0xc2: {  	[dreg:$0x1] =	wrdreg $0xFFFFFFFF  }
0xc3: {  	_ =	task.clear_ibuf [dreg:s8], $0x2FFFF;
	_ =	strace $0x9FFFFFFF  }
0xc4: {  	(tm) =	ssettm $0x7FFFFFFF  }
0xc5: {  	_ =	shalt  }
tec
execute0_lowered:
.L_overlay_start_1:
0x0: {  	(tag) =	ssettag $0x1  }
0x1: {  	s0 =	rddreg [dreg:$0x0]  }
0x2: {  	s1 =	srdreg.scid;
	s3 =	rddreg [dreg:$0x1]  }
0x3: {  	s9 =	stileid.u32;
	s5 =	rddreg [dreg:$0x2];
	s10 =	simm.s32 $0x400  }
0x4: {  	s28 =	simm.s32 $0x8C00;
	s29 =	simm.s32 $0x9400;
	s30 =	simm.s32 $0x9C00  }
0x5: {  	s31 =	simm.s32 $0xA400;
	s11 =	simm.s32 $0xE400;
	s12 =	simm.s32 $0xEC00  }
0x6: {  	s13 =	simm.s32 $0xF400;
	s14 =	simm.s32 $0xFC00;
	s15 =	simm.s32 $0x1  }
0x7: {  	s16 =	simm.s32 $0x2;
	s17 =	simm.s32 $0x3;
	s20 =	simm.s32 $0x0  }
0x8: {  	s1 =	sand.u32 $0x1, s1;
	s2 =	sshll.u32 s9, $0x1;
	s22 =	sshll.u32 s9, $0x2  }
0x9: {  	s24 =	sshll.u32 s9, $0x10;
	s9 =	simm.s32 $0xDC00;
	s4 =	sor.u32 s1, s2  }
0xa: {  	s2 =	simm.s32 $0x0;
	s7 =	ssub.s32 $0x2, s1;
	s25 =	sadd.s32 s24, s5  }
0xb: {  	s1 =	sshll.u32 s1, $0xF;
	s24 =	simm.s32 $0x7400;
	s5 =	simm.s32 $0xD400  }
0xc: {  	s6 =	sshll.u32 s4, $0xD;
	[smem:$0x7FF] =	sst s2;
	s4 =	sshll.u32 s4, $0x9  }
0xd: {  	s8 =	sshrl.u32 s7, $0x1;
	s6 =	sand.u32 $0x1E000, s6;
	_ =	strace $0x80000047  }
0xe: {  	s4 =	sand.u32 $0xE00, s4;
	s23 =	ssub.s32 s7, s8;
	s7 =	simm.s32 $0xBC00  }
0xf: {  	s8 =	simm.s32 $0xC400;
	s0 =	sadd.s32 s6, s0;
	s6 =	sand.u32 $0x30, s22  }
.Ltmp0:
0x10: {  	s26 =	smax.u32 s23, $0x1;
	s22 =	simm.s32 $0x6400;
	(pc) =	sbr.rel .LBB2_1-.Ltmp0, $4  }
0x11: {  	s23 =	simm.s32 $0x6C00;
	s3 =	sadd.s32 s3, s6;
	[dreg:$0x5] =	wrdreg s26  }
0x12: {  	v2 =	vlaneseq.u32;
	s6 =	sadd.s32 s1, s25;
	s25 =	simm.s32 $0x7C00;
	s26 =	simm.s32 $0x8400  }
0x13: {  	vm0 =	vmmov $0xffff;
	v1 =	vshrl.u32 v2, $0x3;
	s1 =	simm.s32 $0xAC00;
	s3 =	sadd.s32 s4, s3;
	s4 =	sadd.s32 $0xC00, s0  }
0x14: {  	v0 =	vand.u32 $0x7, v2;
	v2 =	vor.u32 $0x8, v2;
	v1 =	vmul.u32 $0x8, v1;
	s0 =	simm.s32 $0xB400;
	[dreg:$0x4] =	wrdreg s3;
	s3 =	simm.s32 $0xCC00  }
.LBB2_5:
0x15: {  	_ =	swait.ge [sflag:s17], $0x8000  }
0x16: {  	[sflag:s17] =	ssyncset.done $0x0  }
0x17: {  	s19 =	simm.s32 $0x4;
	[sflag:s17] =	ssyncadd.s32 $0xFFFF8000  }
0x18: {  	_ =	swait.ge [sflag:s19], $0x8000  }
0x19: {  	s20 =	rddreg [dreg:$0x6]  }
0x1a: {  	s18 =	rddreg [dreg:$0x5];
	s20 =	sadd.s32 $0x1, s20  }
0x1b: {  	p0 =	sne.s32 s20, s18  }
.Ltmp1:
0x1c: {  	_ = 	snop;
	(pc) =	sbr.rel @!p0 .LBB2_6-.Ltmp1, $3  }
0x1d: {  	_ =	sdelay $0x1  }
0x1e: {  	[sflag:s19] =	ssyncset.done $0x0  }
0x1f: {  	[sflag:s19] =	ssyncadd.s32 $0xFFFF8000  }
.LBB2_1:
0x20: {  	s18 =	rddreg [dreg:$0x4];
	s19 =	simm.s32 $0x80;
	s21 =	simm.s32 $0x200  }
0x21: {  	[tilespmem:s2], [sflag:$0x5] =	stream.strided.gather [hbm4b:s18+s19], $0x400, s21, s19, $0x38;
	[tilespmem:$0x10400] =	vst v63  }
0x22: {  	[dreg:$0x6] =	wrdreg s20;
	s19 =	simm.s32 $0x5  }
0x23: {  	_ =	swait.ge [sflag:s19], $0x400  }
0x24: {  	[sflag:s19] =	ssyncset.done $0x0  }
0x25: {  	[sflag:s19] =	ssyncadd.s32 $0xFFFFFC00  }
0x26: {  	v3 =	vld [tilespmem:$0x0];
	_ =	sdelay $0x4  }
0x27: {  	v4 =	vshll.u32 v3, $0x1  }
0x28: {  	v3 =	vand.u32 $0x7, v3;
	v4 =	vand.u32 $0xFFFFFFF0, v4  }
0x29: {  	v3 =	vor.u32 v3, v4  }
0x2a: {  	v4 =	vperm.xlane v3, v0;
	_ =	sdelay $0x1  }
0x2b: {  	v3 =	vperm.xlane v3, v2;
	v4 =	vadd.s32 v1, v4;
	_ =	sdelay $0x1  }
0x2c: {  	v3 =	vadd.s32 v1, v3;
	_ =	sdelay $0x2  }
0x2d: {  	[tilespmem:s10], [sflag:$0x1] =	stream.indirect_vreg.gather [hbm4b:s4+s2], $0x80, v4, vm0, $0xb8;
	[tilespmem:$0x10400] =	vst v63  }
0x2e: {  	s20 =	simm.s32 $0xC00  }
0x2f: {  	[tilespmem:s20], [sflag:$0x1] =	stream.indirect_vreg.gather [hbm4b:s4+s2], $0x80, v3, vm0, $0xb8;
	[tilespmem:$0x10400] =	vst v63  }
0x30: {  	v3 =	vld [tilespmem:$0x10];
	_ =	sdelay $0x4  }
0x31: {  	v57 =	vshll.u32 v3, $0x1  }
0x32: {  	v3 =	vand.u32 $0x7, v3;
	v4 =	vand.u32 $0xFFFFFFF0, v57  }
0x33: {  	v3 =	vor.u32 v3, v4  }
0x34: {  	v4 =	vperm.xlane v3, v0;
	_ =	sdelay $0x1  }
0x35: {  	v3 =	vperm.xlane v3, v2;
	v4 =	vadd.s32 v1, v4;
	_ =	sdelay $0x1  }
0x36: {  	v3 =	vadd.s32 v1, v3;
	_ =	sdelay $0x1  }
0x37: {  	s21 =	simm.s32 $0x1400  }
0x38: {  	[tilespmem:s21], [sflag:$0x1] =	stream.indirect_vreg.gather [hbm4b:s4+s2], $0x80, v4, vm0, $0xb8;
	[tilespmem:$0x10400] =	vst v63  }
0x39: {  	s19 =	simm.s32 $0x1C00  }
0x3a: {  	[tilespmem:s19], [sflag:$0x1] =	stream.indirect_vreg.gather [hbm4b:s4+s2], $0x80, v3, vm0, $0xb8;
	[tilespmem:$0x10400] =	vst v63  }
0x3b: {  	v3 =	vld [tilespmem:$0x20];
	_ =	sdelay $0x4  }
0x3c: {  	v58 =	vshll.u32 v3, $0x1  }
0x3d: {  	v3 =	vand.u32 $0x7, v3;
	v4 =	vand.u32 $0xFFFFFFF0, v58  }
0x3e: {  	v3 =	vor.u32 v3, v4  }
0x3f: {  	v4 =	vperm.xlane v3, v0;
	_ =	sdelay $0x1  }
0x40: {  	v3 =	vperm.xlane v3, v2;
	v4 =	vadd.s32 v1, v4;
	_ =	sdelay $0x1  }
0x41: {  	v3 =	vadd.s32 v1, v3;
	_ =	sdelay $0x1  }
0x42: {  	s20 =	simm.s32 $0x2400  }
0x43: {  	[tilespmem:s20], [sflag:$0x1] =	stream.indirect_vreg.gather [hbm4b:s4+s2], $0x80, v4, vm0, $0xb8;
	[tilespmem:$0x10400] =	vst v63  }
0x44: {  	s21 =	simm.s32 $0x2C00  }
0x45: {  	[tilespmem:s21], [sflag:$0x1] =	stream.indirect_vreg.gather [hbm4b:s4+s2], $0x80, v3, vm0, $0xb8;
	[tilespmem:$0x10400] =	vst v63  }
0x46: {  	v3 =	vld [tilespmem:$0x30];
	_ =	sdelay $0x4  }
0x47: {  	v59 =	vshll.u32 v3, $0x1  }
0x48: {  	v3 =	vand.u32 $0x7, v3;
	v4 =	vand.u32 $0xFFFFFFF0, v59  }
0x49: {  	v3 =	vor.u32 v3, v4  }
0x4a: {  	v4 =	vperm.xlane v3, v0;
	_ =	sdelay $0x1  }
0x4b: {  	v3 =	vperm.xlane v3, v2;
	v4 =	vadd.s32 v1, v4;
	_ =	sdelay $0x1  }
0x4c: {  	v3 =	vadd.s32 v1, v3;
	_ =	sdelay $0x1  }
0x4d: {  	s19 =	simm.s32 $0x3400  }
0x4e: {  	[tilespmem:s19], [sflag:$0x1] =	stream.indirect_vreg.gather [hbm4b:s4+s2], $0x80, v4, vm0, $0xb8;
	[tilespmem:$0x10400] =	vst v63  }
0x4f: {  	s20 =	simm.s32 $0x3C00  }
0x50: {  	[tilespmem:s20], [sflag:$0x1] =	stream.indirect_vreg.gather [hbm4b:s4+s2], $0x80, v3, vm0, $0xb8;
	[tilespmem:$0x10400] =	vst v63  }
0x51: {  	v3 =	vld [tilespmem:$0x40];
	_ =	sdelay $0x4  }
0x52: {  	v60 =	vshll.u32 v3, $0x1  }
0x53: {  	v3 =	vand.u32 $0x7, v3;
	v4 =	vand.u32 $0xFFFFFFF0, v60  }
0x54: {  	v3 =	vor.u32 v3, v4  }
0x55: {  	v4 =	vperm.xlane v3, v0;
	_ =	sdelay $0x1  }
0x56: {  	v3 =	vperm.xlane v3, v2;
	v4 =	vadd.s32 v1, v4;
	_ =	sdelay $0x1  }
0x57: {  	v3 =	vadd.s32 v1, v3;
	_ =	sdelay $0x1  }
0x58: {  	s21 =	simm.s32 $0x4400  }
0x59: {  	[tilespmem:s21], [sflag:$0x1] =	stream.indirect_vreg.gather [hbm4b:s4+s2], $0x80, v4, vm0, $0xb8;
	[tilespmem:$0x10400] =	vst v63  }
0x5a: {  	s19 =	simm.s32 $0x4C00  }
0x5b: {  	[tilespmem:s19], [sflag:$0x1] =	stream.indirect_vreg.gather [hbm4b:s4+s2], $0x80, v3, vm0, $0xb8;
	[tilespmem:$0x10400] =	vst v63  }
0x5c: {  	v3 =	vld [tilespmem:$0x50];
	_ =	sdelay $0x4  }
0x5d: {  	v61 =	vshll.u32 v3, $0x1  }
0x5e: {  	v3 =	vand.u32 $0x7, v3;
	v4 =	vand.u32 $0xFFFFFFF0, v61  }
0x5f: {  	v3 =	vor.u32 v3, v4  }
0x60: {  	v4 =	vperm.xlane v3, v0;
	_ =	sdelay $0x1  }
0x61: {  	v3 =	vperm.xlane v3, v2;
	v4 =	vadd.s32 v1, v4;
	_ =	sdelay $0x1  }
0x62: {  	v3 =	vadd.s32 v1, v3;
	_ =	sdelay $0x1  }
0x63: {  	s20 =	simm.s32 $0x5400  }
0x64: {  	[tilespmem:s20], [sflag:$0x1] =	stream.indirect_vreg.gather [hbm4b:s4+s2], $0x80, v4, vm0, $0xb8;
	[tilespmem:$0x10400] =	vst v63  }
0x65: {  	s21 =	simm.s32 $0x5C00  }
0x66: {  	[tilespmem:s21], [sflag:$0x1] =	stream.indirect_vreg.gather [hbm4b:s4+s2], $0x80, v3, vm0, $0xb8;
	[tilespmem:$0x10400] =	vst v63  }
0x67: {  	v3 =	vld [tilespmem:$0x60];
	_ =	sdelay $0x4  }
0x68: {  	v62 =	vshll.u32 v3, $0x1  }
0x69: {  	v3 =	vand.u32 $0x7, v3;
	v4 =	vand.u32 $0xFFFFFFF0, v62  }
0x6a: {  	v3 =	vor.u32 v3, v4  }
0x6b: {  	v4 =	vperm.xlane v3, v0;
	_ =	sdelay $0x1  }
0x6c: {  	v3 =	vperm.xlane v3, v2;
	v4 =	vadd.s32 v1, v4;
	_ =	sdelay $0x1  }
0x6d: {  	v3 =	vadd.s32 v1, v3;
	_ =	sdelay $0x2  }
0x6e: {  	[tilespmem:s22], [sflag:$0x1] =	stream.indirect_vreg.gather [hbm4b:s4+s2], $0x80, v4, vm0, $0xb8;
	[tilespmem:$0x10400] =	vst v63  }
0x6f: {  	_ = 	snop  }
0x70: {  	[tilespmem:s23], [sflag:$0x1] =	stream.indirect_vreg.gather [hbm4b:s4+s2], $0x80, v3, vm0, $0xb8;
	[tilespmem:$0x10400] =	vst v63  }
0x71: {  	v3 =	vld [tilespmem:$0x70];
	_ =	sdelay $0x4  }
0x72: {  	v63 =	vshll.u32 v3, $0x1  }
0x73: {  	v3 =	vand.u32 $0x7, v3;
	v4 =	vand.u32 $0xFFFFFFF0, v63  }
0x74: {  	v3 =	vor.u32 v3, v4  }
0x75: {  	v4 =	vperm.xlane v3, v0;
	_ =	sdelay $0x1  }
0x76: {  	v3 =	vperm.xlane v3, v2;
	v4 =	vadd.s32 v1, v4;
	_ =	sdelay $0x1  }
0x77: {  	v3 =	vadd.s32 v1, v3  }
.Ltmp2:
0x78: {  	_ = 	snop;
	(pc) =	sbr.rel .LBB2_2-.Ltmp2, $4  }
0x79: {  	_ = 	snop  }
0x7a: {  	[tilespmem:s24], [sflag:$0x1] =	stream.indirect_vreg.gather [hbm4b:s4+s2], $0x80, v4, vm0, $0xb8;
	[tilespmem:$0x10400] =	vst v63  }
0x7b: {  	s18 =	simm.s32 $0xC0;
	s19 =	simm.s32 $0x0  }
0x7c: {  	[tilespmem:s25], [sflag:$0x1] =	stream.indirect_vreg.gather [hbm4b:s4+s2], $0x80, v3, vm0, $0xb8;
	[tilespmem:$0x10400] =	vst v63  }
.LBB2_4:
0x7d: {  	_ =	swait.ge [sflag:s16], $0x2000  }
0x7e: {  	[sflag:s16] =	ssyncset.done $0x0  }
0x7f: {  	[sflag:s16] =	ssyncadd.s32 $0xFFFFE000  }
0x80: {  	_ =	swait.ge [sflag:s16], $0x2000  }
0x81: {  	[sflag:s16] =	ssyncset.done $0x0  }
0x82: {  	[sflag:s16] =	ssyncadd.s32 $0xFFFFE000  }
0x83: {  	s19 =	sadd.s32 $0x2000, s19;
	_ =	swait.ge [sflag:s16], $0x2000  }
0x84: {  	p0 =	sne.s32 s19, $0x8000;
	[sflag:s16] =	ssyncset.done $0x0  }
.Ltmp3:
0x85: {  	[sflag:s16] =	ssyncadd.s32 $0xFFFFE000;
	(pc) =	sbr.rel @!p0 .LBB2_5-.Ltmp3, $4  }
0x86: {  	_ =	swait.ge [sflag:s16], $0x2000  }
0x87: {  	[sflag:s16] =	ssyncset.done $0x0  }
0x88: {  	s20 =	sadd.s32 $0x1000, s20;
	s18 =	sadd.s32 $0x100, s18;
	[sflag:s16] =	ssyncadd.s32 $0xFFFFE000  }
0x89: {  	[hbm4b:s20+s2] =	stream.linear.scatter [tilespmem:s26], [sflag:$0x4], $0x8000, $0x38;
	[tilespmem:$0x10400] =	vst v63  }
.LBB2_2:
0x8a: {  	p0 =	seq.s32 s19, $0x0  }
0x8b: {  	s20 =	simm.s32 @!p0 $0x4  }
0x8c: {  	_ =	swait.ge @!p0 [sflag:s20], $0x8000  }
0x8d: {  	[sflag:s20] =	ssyncset.done @!p0 $0x0  }
0x8e: {  	[sflag:s20] =	ssyncadd.s32 @!p0 $0xFFFF8000  }
0x8f: {  	v3 =	vld [tilespmem:s18+$0xFFFFFFC0];
	_ =	sdelay $0x4  }
0x90: {  	v4 =	vshll.u32 v3, $0x1  }
0x91: {  	v3 =	vand.u32 $0x7, v3;
	v4 =	vand.u32 $0xFFFFFFF0, v4  }
0x92: {  	v3 =	vor.u32 v3, v4  }
0x93: {  	v4 =	vperm.xlane v3, v0;
	_ =	sdelay $0x1  }
0x94: {  	v3 =	vperm.xlane v3, v2;
	v4 =	vadd.s32 v1, v4;
	_ =	sdelay $0x1  }
0x95: {  	v3 =	vadd.s32 v1, v3;
	_ =	sdelay $0x2  }
0x96: {  	[tilespmem:s26], [sflag:$0x2] =	stream.indirect_vreg.gather [hbm4b:s4+s2], $0x80, v4, vm0, $0xb8;
	[tilespmem:$0x10400] =	vst v63  }
0x97: {  	_ = 	snop  }
0x98: {  	[tilespmem:s28], [sflag:$0x2] =	stream.indirect_vreg.gather [hbm4b:s4+s2], $0x80, v3, vm0, $0xb8;
	[tilespmem:$0x10400] =	vst v63  }
0x99: {  	v3 =	vld [tilespmem:s18+$0xFFFFFFD0];
	_ =	sdelay $0x4  }
0x9a: {  	v57 =	vshll.u32 v3, $0x1  }
0x9b: {  	v3 =	vand.u32 $0x7, v3;
	v4 =	vand.u32 $0xFFFFFFF0, v57  }
0x9c: {  	v3 =	vor.u32 v3, v4  }
0x9d: {  	v4 =	vperm.xlane v3, v0;
	_ =	sdelay $0x1  }
0x9e: {  	v3 =	vperm.xlane v3, v2;
	v4 =	vadd.s32 v1, v4;
	_ =	sdelay $0x1  }
0x9f: {  	v3 =	vadd.s32 v1, v3;
	_ =	sdelay $0x2  }
0xa0: {  	[tilespmem:s29], [sflag:$0x2] =	stream.indirect_vreg.gather [hbm4b:s4+s2], $0x80, v4, vm0, $0xb8;
	[tilespmem:$0x10400] =	vst v63  }
0xa1: {  	_ = 	snop  }
0xa2: {  	[tilespmem:s30], [sflag:$0x2] =	stream.indirect_vreg.gather [hbm4b:s4+s2], $0x80, v3, vm0, $0xb8;
	[tilespmem:$0x10400] =	vst v63  }
0xa3: {  	v3 =	vld [tilespmem:s18+$0xFFFFFFE0];
	_ =	sdelay $0x4  }
0xa4: {  	v58 =	vshll.u32 v3, $0x1  }
0xa5: {  	v3 =	vand.u32 $0x7, v3;
	v4 =	vand.u32 $0xFFFFFFF0, v58  }
0xa6: {  	v3 =	vor.u32 v3, v4  }
0xa7: {  	v4 =	vperm.xlane v3, v0;
	_ =	sdelay $0x1  }
0xa8: {  	v3 =	vperm.xlane v3, v2;
	v4 =	vadd.s32 v1, v4;
	_ =	sdelay $0x1  }
0xa9: {  	v3 =	vadd.s32 v1, v3;
	_ =	sdelay $0x2  }
0xaa: {  	[tilespmem:s31], [sflag:$0x2] =	stream.indirect_vreg.gather [hbm4b:s4+s2], $0x80, v4, vm0, $0xb8;
	[tilespmem:$0x10400] =	vst v63  }
0xab: {  	_ = 	snop  }
0xac: {  	[tilespmem:s1], [sflag:$0x2] =	stream.indirect_vreg.gather [hbm4b:s4+s2], $0x80, v3, vm0, $0xb8;
	[tilespmem:$0x10400] =	vst v63  }
0xad: {  	v3 =	vld [tilespmem:s18+$0xFFFFFFF0];
	_ =	sdelay $0x4  }
0xae: {  	v59 =	vshll.u32 v3, $0x1  }
0xaf: {  	v3 =	vand.u32 $0x7, v3;
	v4 =	vand.u32 $0xFFFFFFF0, v59  }
0xb0: {  	v3 =	vor.u32 v3, v4  }
0xb1: {  	v4 =	vperm.xlane v3, v0;
	_ =	sdelay $0x1  }
0xb2: {  	v3 =	vperm.xlane v3, v2;
	v4 =	vadd.s32 v1, v4;
	_ =	sdelay $0x1  }
0xb3: {  	v3 =	vadd.s32 v1, v3;
	_ =	sdelay $0x2  }
0xb4: {  	[tilespmem:s0], [sflag:$0x2] =	stream.indirect_vreg.gather [hbm4b:s4+s2], $0x80, v4, vm0, $0xb8;
	[tilespmem:$0x10400] =	vst v63  }
0xb5: {  	_ = 	snop  }
0xb6: {  	[tilespmem:s7], [sflag:$0x2] =	stream.indirect_vreg.gather [hbm4b:s4+s2], $0x80, v3, vm0, $0xb8;
	[tilespmem:$0x10400] =	vst v63  }
0xb7: {  	v3 =	vld [tilespmem:s18+$0x0];
	_ =	sdelay $0x4  }
0xb8: {  	v60 =	vshll.u32 v3, $0x1  }
0xb9: {  	v3 =	vand.u32 $0x7, v3;
	v4 =	vand.u32 $0xFFFFFFF0, v60  }
0xba: {  	v3 =	vor.u32 v3, v4  }
0xbb: {  	v4 =	vperm.xlane v3, v0;
	_ =	sdelay $0x1  }
0xbc: {  	v3 =	vperm.xlane v3, v2;
	v4 =	vadd.s32 v1, v4;
	_ =	sdelay $0x1  }
0xbd: {  	v3 =	vadd.s32 v1, v3;
	_ =	sdelay $0x2  }
0xbe: {  	[tilespmem:s8], [sflag:$0x2] =	stream.indirect_vreg.gather [hbm4b:s4+s2], $0x80, v4, vm0, $0xb8;
	[tilespmem:$0x10400] =	vst v63  }
0xbf: {  	_ = 	snop  }
0xc0: {  	[tilespmem:s3], [sflag:$0x2] =	stream.indirect_vreg.gather [hbm4b:s4+s2], $0x80, v3, vm0, $0xb8;
	[tilespmem:$0x10400] =	vst v63  }
0xc1: {  	v3 =	vld [tilespmem:s18+$0x10];
	_ =	sdelay $0x4  }
0xc2: {  	v61 =	vshll.u32 v3, $0x1  }
0xc3: {  	v3 =	vand.u32 $0x7, v3;
	v4 =	vand.u32 $0xFFFFFFF0, v61  }
0xc4: {  	v3 =	vor.u32 v3, v4  }
0xc5: {  	v4 =	vperm.xlane v3, v0;
	_ =	sdelay $0x1  }
0xc6: {  	v3 =	vperm.xlane v3, v2;
	v4 =	vadd.s32 v1, v4;
	_ =	sdelay $0x1  }
0xc7: {  	v3 =	vadd.s32 v1, v3;
	_ =	sdelay $0x2  }
0xc8: {  	[tilespmem:s5], [sflag:$0x2] =	stream.indirect_vreg.gather [hbm4b:s4+s2], $0x80, v4, vm0, $0xb8;
	[tilespmem:$0x10400] =	vst v63  }
0xc9: {  	_ = 	snop  }
0xca: {  	[tilespmem:s9], [sflag:$0x2] =	stream.indirect_vreg.gather [hbm4b:s4+s2], $0x80, v3, vm0, $0xb8;
	[tilespmem:$0x10400] =	vst v63  }
0xcb: {  	v3 =	vld [tilespmem:s18+$0x20];
	_ =	sdelay $0x4  }
0xcc: {  	v62 =	vshll.u32 v3, $0x1  }
0xcd: {  	v3 =	vand.u32 $0x7, v3;
	v4 =	vand.u32 $0xFFFFFFF0, v62  }
0xce: {  	v3 =	vor.u32 v3, v4  }
0xcf: {  	v4 =	vperm.xlane v3, v0;
	_ =	sdelay $0x1  }
0xd0: {  	v3 =	vperm.xlane v3, v2;
	v4 =	vadd.s32 v1, v4;
	_ =	sdelay $0x1  }
0xd1: {  	v3 =	vadd.s32 v1, v3;
	_ =	sdelay $0x2  }
0xd2: {  	[tilespmem:s11], [sflag:$0x2] =	stream.indirect_vreg.gather [hbm4b:s4+s2], $0x80, v4, vm0, $0xb8;
	[tilespmem:$0x10400] =	vst v63  }
0xd3: {  	_ = 	snop  }
0xd4: {  	[tilespmem:s12], [sflag:$0x2] =	stream.indirect_vreg.gather [hbm4b:s4+s2], $0x80, v3, vm0, $0xb8;
	[tilespmem:$0x10400] =	vst v63  }
0xd5: {  	v3 =	vld [tilespmem:s18+$0x30];
	_ =	sdelay $0x4  }
0xd6: {  	v63 =	vshll.u32 v3, $0x1  }
0xd7: {  	v3 =	vand.u32 $0x7, v3;
	v4 =	vand.u32 $0xFFFFFFF0, v63  }
0xd8: {  	v3 =	vor.u32 v3, v4  }
0xd9: {  	v4 =	vperm.xlane v3, v0;
	_ =	sdelay $0x1  }
0xda: {  	v3 =	vperm.xlane v3, v2;
	v4 =	vadd.s32 v1, v4;
	_ =	sdelay $0x1  }
0xdb: {  	v3 =	vadd.s32 v1, v3;
	_ =	sdelay $0x2  }
0xdc: {  	[tilespmem:s13], [sflag:$0x2] =	stream.indirect_vreg.gather [hbm4b:s4+s2], $0x80, v4, vm0, $0xb8;
	[tilespmem:$0x10400] =	vst v63  }
0xdd: {  	_ = 	snop  }
0xde: {  	[tilespmem:s14], [sflag:$0x2] =	stream.indirect_vreg.gather [hbm4b:s4+s2], $0x80, v3, vm0, $0xb8;
	[tilespmem:$0x10400] =	vst v63  }
0xdf: {  	_ =	swait.ge [sflag:s15], $0x2000  }
0xe0: {  	[sflag:s15] =	ssyncset.done $0x0  }
0xe1: {  	[sflag:s15] =	ssyncadd.s32 $0xFFFFE000  }
0xe2: {  	_ =	swait.ge [sflag:s15], $0x2000  }
0xe3: {  	[sflag:s15] =	ssyncset.done $0x0  }
0xe4: {  	[sflag:s15] =	ssyncadd.s32 $0xFFFFE000  }
0xe5: {  	_ =	swait.ge [sflag:s15], $0x2000  }
0xe6: {  	p0 =	seq.s32 s19, $0x6000;
	[sflag:s15] =	ssyncset.done $0x0  }
.Ltmp4:
0xe7: {  	[sflag:s15] =	ssyncadd.s32 $0xFFFFE000;
	(pc) =	sbr.rel @p0 .LBB2_4-.Ltmp4, $4  }
0xe8: {  	_ =	swait.ge [sflag:s15], $0x2000  }
0xe9: {  	[sflag:s15] =	ssyncset.done $0x0  }
0xea: {  	s20 =	sadd.s32 s19, s6;
	[sflag:s15] =	ssyncadd.s32 $0xFFFFE000  }
0xeb: {  	[hbm4b:s20+s2] =	stream.linear.scatter [tilespmem:s10], [sflag:$0x3], $0x8000, $0x38;
	[tilespmem:$0x10400] =	vst v63  }
0xec: {  	_ =	swait.ge [sflag:s17], $0x8000  }
0xed: {  	[sflag:s17] =	ssyncset.done $0x0  }
0xee: {  	[sflag:s17] =	ssyncadd.s32 $0xFFFF8000  }
0xef: {  	v3 =	vld [tilespmem:s18+$0x40];
	_ =	sdelay $0x4  }
0xf0: {  	v4 =	vshll.u32 v3, $0x1  }
0xf1: {  	v3 =	vand.u32 $0x7, v3;
	v4 =	vand.u32 $0xFFFFFFF0, v4  }
0xf2: {  	v3 =	vor.u32 v3, v4  }
0xf3: {  	v4 =	vperm.xlane v3, v0;
	_ =	sdelay $0x1  }
0xf4: {  	v3 =	vperm.xlane v3, v2;
	v4 =	vadd.s32 v1, v4;
	_ =	sdelay $0x1  }
0xf5: {  	v3 =	vadd.s32 v1, v3;
	_ =	sdelay $0x2  }
0xf6: {  	[tilespmem:s10], [sflag:$0x1] =	stream.indirect_vreg.gather [hbm4b:s4+s2], $0x80, v4, vm0, $0xb8;
	[tilespmem:$0x10400] =	vst v63  }
0xf7: {  	s21 =	simm.s32 $0xC00  }
0xf8: {  	[tilespmem:s21], [sflag:$0x1] =	stream.indirect_vreg.gather [hbm4b:s4+s2], $0x80, v3, vm0, $0xb8;
	[tilespmem:$0x10400] =	vst v63  }
0xf9: {  	v3 =	vld [tilespmem:s18+$0x50];
	_ =	sdelay $0x4  }
0xfa: {  	v57 =	vshll.u32 v3, $0x1  }
0xfb: {  	v3 =	vand.u32 $0x7, v3;
	v4 =	vand.u32 $0xFFFFFFF0, v57  }
0xfc: {  	v3 =	vor.u32 v3, v4  }
0xfd: {  	v4 =	vperm.xlane v3, v0;
	_ =	sdelay $0x1  }
0xfe: {  	v3 =	vperm.xlane v3, v2;
	v4 =	vadd.s32 v1, v4;
	_ =	sdelay $0x1  }
0xff: {  	v3 =	vadd.s32 v1, v3;
	_ =	sdelay $0x1  }
0x100: {  	s21 =	simm.s32 $0x1400  }
0x101: {  	[tilespmem:s21], [sflag:$0x1] =	stream.indirect_vreg.gather [hbm4b:s4+s2], $0x80, v4, vm0, $0xb8;
	[tilespmem:$0x10400] =	vst v63  }
0x102: {  	s21 =	simm.s32 $0x1C00  }
0x103: {  	[tilespmem:s21], [sflag:$0x1] =	stream.indirect_vreg.gather [hbm4b:s4+s2], $0x80, v3, vm0, $0xb8;
	[tilespmem:$0x10400] =	vst v63  }
0x104: {  	v3 =	vld [tilespmem:s18+$0x60];
	_ =	sdelay $0x4  }
0x105: {  	v58 =	vshll.u32 v3, $0x1  }
0x106: {  	v3 =	vand.u32 $0x7, v3;
	v4 =	vand.u32 $0xFFFFFFF0, v58  }
0x107: {  	v3 =	vor.u32 v3, v4  }
0x108: {  	v4 =	vperm.xlane v3, v0;
	_ =	sdelay $0x1  }
0x109: {  	v3 =	vperm.xlane v3, v2;
	v4 =	vadd.s32 v1, v4;
	_ =	sdelay $0x1  }
0x10a: {  	v3 =	vadd.s32 v1, v3;
	_ =	sdelay $0x1  }
0x10b: {  	s21 =	simm.s32 $0x2400  }
0x10c: {  	[tilespmem:s21], [sflag:$0x1] =	stream.indirect_vreg.gather [hbm4b:s4+s2], $0x80, v4, vm0, $0xb8;
	[tilespmem:$0x10400] =	vst v63  }
0x10d: {  	s21 =	simm.s32 $0x2C00  }
0x10e: {  	[tilespmem:s21], [sflag:$0x1] =	stream.indirect_vreg.gather [hbm4b:s4+s2], $0x80, v3, vm0, $0xb8;
	[tilespmem:$0x10400] =	vst v63  }
0x10f: {  	v3 =	vld [tilespmem:s18+$0x70];
	_ =	sdelay $0x4  }
0x110: {  	v59 =	vshll.u32 v3, $0x1  }
0x111: {  	v3 =	vand.u32 $0x7, v3;
	v4 =	vand.u32 $0xFFFFFFF0, v59  }
0x112: {  	v3 =	vor.u32 v3, v4  }
0x113: {  	v4 =	vperm.xlane v3, v0;
	_ =	sdelay $0x1  }
0x114: {  	v3 =	vperm.xlane v3, v2;
	v4 =	vadd.s32 v1, v4;
	_ =	sdelay $0x1  }
0x115: {  	v3 =	vadd.s32 v1, v3;
	_ =	sdelay $0x1  }
0x116: {  	s21 =	simm.s32 $0x3400  }
0x117: {  	[tilespmem:s21], [sflag:$0x1] =	stream.indirect_vreg.gather [hbm4b:s4+s2], $0x80, v4, vm0, $0xb8;
	[tilespmem:$0x10400] =	vst v63  }
0x118: {  	s21 =	simm.s32 $0x3C00  }
0x119: {  	[tilespmem:s21], [sflag:$0x1] =	stream.indirect_vreg.gather [hbm4b:s4+s2], $0x80, v3, vm0, $0xb8;
	[tilespmem:$0x10400] =	vst v63  }
0x11a: {  	v3 =	vld [tilespmem:s18+$0x80];
	_ =	sdelay $0x4  }
0x11b: {  	v60 =	vshll.u32 v3, $0x1  }
0x11c: {  	v3 =	vand.u32 $0x7, v3;
	v4 =	vand.u32 $0xFFFFFFF0, v60  }
0x11d: {  	v3 =	vor.u32 v3, v4  }
0x11e: {  	v4 =	vperm.xlane v3, v0;
	_ =	sdelay $0x1  }
0x11f: {  	v3 =	vperm.xlane v3, v2;
	v4 =	vadd.s32 v1, v4;
	_ =	sdelay $0x1  }
0x120: {  	v3 =	vadd.s32 v1, v3;
	_ =	sdelay $0x1  }
0x121: {  	s21 =	simm.s32 $0x4400  }
0x122: {  	[tilespmem:s21], [sflag:$0x1] =	stream.indirect_vreg.gather [hbm4b:s4+s2], $0x80, v4, vm0, $0xb8;
	[tilespmem:$0x10400] =	vst v63  }
0x123: {  	s21 =	simm.s32 $0x4C00  }
0x124: {  	[tilespmem:s21], [sflag:$0x1] =	stream.indirect_vreg.gather [hbm4b:s4+s2], $0x80, v3, vm0, $0xb8;
	[tilespmem:$0x10400] =	vst v63  }
0x125: {  	v3 =	vld [tilespmem:s18+$0x90];
	_ =	sdelay $0x4  }
0x126: {  	v61 =	vshll.u32 v3, $0x1  }
0x127: {  	v3 =	vand.u32 $0x7, v3;
	v4 =	vand.u32 $0xFFFFFFF0, v61  }
0x128: {  	v3 =	vor.u32 v3, v4  }
0x129: {  	v4 =	vperm.xlane v3, v0;
	_ =	sdelay $0x1  }
0x12a: {  	v3 =	vperm.xlane v3, v2;
	v4 =	vadd.s32 v1, v4;
	_ =	sdelay $0x1  }
0x12b: {  	v3 =	vadd.s32 v1, v3;
	_ =	sdelay $0x1  }
0x12c: {  	s21 =	simm.s32 $0x5400  }
0x12d: {  	[tilespmem:s21], [sflag:$0x1] =	stream.indirect_vreg.gather [hbm4b:s4+s2], $0x80, v4, vm0, $0xb8;
	[tilespmem:$0x10400] =	vst v63  }
0x12e: {  	s21 =	simm.s32 $0x5C00  }
0x12f: {  	[tilespmem:s21], [sflag:$0x1] =	stream.indirect_vreg.gather [hbm4b:s4+s2], $0x80, v3, vm0, $0xb8;
	[tilespmem:$0x10400] =	vst v63  }
0x130: {  	v3 =	vld [tilespmem:s18+$0xA0];
	_ =	sdelay $0x4  }
0x131: {  	v62 =	vshll.u32 v3, $0x1  }
0x132: {  	v3 =	vand.u32 $0x7, v3;
	v4 =	vand.u32 $0xFFFFFFF0, v62  }
0x133: {  	v3 =	vor.u32 v3, v4  }
0x134: {  	v4 =	vperm.xlane v3, v0;
	_ =	sdelay $0x1  }
0x135: {  	v3 =	vperm.xlane v3, v2;
	v4 =	vadd.s32 v1, v4;
	_ =	sdelay $0x1  }
0x136: {  	v3 =	vadd.s32 v1, v3;
	_ =	sdelay $0x2  }
0x137: {  	[tilespmem:s22], [sflag:$0x1] =	stream.indirect_vreg.gather [hbm4b:s4+s2], $0x80, v4, vm0, $0xb8;
	[tilespmem:$0x10400] =	vst v63  }
0x138: {  	_ = 	snop  }
0x139: {  	[tilespmem:s23], [sflag:$0x1] =	stream.indirect_vreg.gather [hbm4b:s4+s2], $0x80, v3, vm0, $0xb8;
	[tilespmem:$0x10400] =	vst v63  }
0x13a: {  	v3 =	vld [tilespmem:s18+$0xB0];
	_ =	sdelay $0x4  }
0x13b: {  	v63 =	vshll.u32 v3, $0x1  }
0x13c: {  	v3 =	vand.u32 $0x7, v3;
	v4 =	vand.u32 $0xFFFFFFF0, v63  }
0x13d: {  	v3 =	vor.u32 v3, v4  }
0x13e: {  	v4 =	vperm.xlane v3, v0;
	_ =	sdelay $0x1  }
0x13f: {  	v3 =	vperm.xlane v3, v2;
	v4 =	vadd.s32 v1, v4;
	_ =	sdelay $0x1  }
0x140: {  	v3 =	vadd.s32 v1, v3  }
.Ltmp5:
0x141: {  	_ = 	snop;
	(pc) =	sbr.rel .LBB2_4-.Ltmp5, $4  }
0x142: {  	_ = 	snop  }
0x143: {  	[tilespmem:s24], [sflag:$0x1] =	stream.indirect_vreg.gather [hbm4b:s4+s2], $0x80, v4, vm0, $0xb8;
	[tilespmem:$0x10400] =	vst v63  }
0x144: {  	_ = 	snop  }
0x145: {  	[tilespmem:s25], [sflag:$0x1] =	stream.indirect_vreg.gather [hbm4b:s4+s2], $0x80, v3, vm0, $0xb8;
	[tilespmem:$0x10400] =	vst v63  }
.LBB2_6:
0x146: {  	_ =	sfence.sel $0x180000  }
0x147: {  	[bflag:$0x0] =	sbarrier.arrive $0xFFFF  }
0x148: {  	_ =	strace $0x90000047  }
0x149: {  	s0 =	stileid.u32;
	[bflag:$0x2] =	sbarrier.arrive $0xFFFF  }
0x14a: {  	p0 =	sne.s32 s0, $0x0;
	s0 =	rddreg [dreg:$0x3]  }
0x14b: {  	s0 =	sadd.s32 @!p0 $0x100000, s0  }
0x14c: {  	[sflag:s0] =	ssyncadd.tile.s32 @!p0 $0x1;
	_ =	shalt  }
.Lfunc_end2:
_tile_overlayer_lowered:
.L_overlay_start_2:
0x14d: {  	(tag) =	ssettag $0x2  }
0x14e: {  	s0 =	rddreg [dreg:$0x0];
	s2 =	stileid.u32  }
0x14f: {  	s1 =	rddreg [dreg:$0x1];
	p0 =	sne.s32 s2, $0x0  }
0x150: {  	s3 =	rddreg [dreg:$0x2];
	[bflag:$0x3] =	sbarrier.arrive $0xFFFF;
	s2 =	simm.s32 @!p0 $0x1C05  }
0x151: {  	[timem:s3], [sflag:s2] =	dma.local @!p0 [hbm:s0], s1  }
0x152: {  	s0 =	simm.s32 @!p0 $0x5  }
0x153: {  	_ =	swait.ge @!p0 [sflag:s0], s1  }
0x154: {  	s1 =	ssub.s32 @!p0 $0x0, s1;
	[sflag:s0] =	ssyncset.done @!p0 $0x0  }
0x155: {  	[sflag:s0] =	ssyncadd.s32 @!p0 s1  }
0x156: {  	[bflag:$0x3] =	sbarrier.arrive $0xFFFF  }
0x157: {  	_ =	shalt  }

</sc_bundles>
